<compile_context>
chip_gen: v7x
topology: tpu7x:2x2x1
jax: 0.10.2.dev20260603
libtpu: 0.0.44.dev20260713+nightly
codegen_flags: <defaults>
</compile_context>

<pallas_src>
import functools

import jax
import jax.numpy as jnp
import jax.scipy.linalg as jsl
from jax.experimental import pallas as pl


def _tokenizer_kernel(x_ref, y_ref, w_ref, t_ref, o_ref, *, bb):
    classes = jax.lax.broadcasted_iota(jnp.int32, (1, 128), 1)
    for jb in range(bb):
        xj = x_ref[jb]
        acc = jax.lax.dot_general(
            xj, w_ref[...],
            dimension_numbers=(((1,), (0,)), ((), ())),
            preferred_element_type=jnp.float32,
        )
        for j in range(4):
            yjs = y_ref[jb, j][:, None]
            onehot = (yjs == classes).astype(jnp.float32)
            acc += jax.lax.dot_general(
                onehot, t_ref[j],
                dimension_numbers=(((1,), (0,)), ((), ())),
                preferred_element_type=jnp.float32,
            )
        o_ref[jb] = acc.reshape(1024, 128)


@jax.jit
def kernel(x, y, W, b, table):
    B, N, D = x.shape
    H, _ = W.shape
    C = table.shape[0]
    BB = 8

    table_b = table + b[None, :]
    Wt = W.T
    Wd = jsl.block_diag(Wt, Wt, Wt, Wt)
    T4 = jnp.zeros((4, 128, 4 * H), jnp.float32)
    for j in range(4):
        T4 = T4.at[j, :C, j * H:(j + 1) * H].set(table_b)

    call = pl.pallas_call(
        functools.partial(_tokenizer_kernel, bb=BB),
        grid=(B // BB,),
        in_specs=[
            pl.BlockSpec((BB, N // 4, 4 * D), lambda i: (i, 0, 0)),
            pl.BlockSpec((BB, 4, N // 4), lambda i: (i, 0, 0)),
            pl.BlockSpec((4 * D, 4 * H), lambda i: (0, 0)),
            pl.BlockSpec((4, 128, 4 * H), lambda i: (0, 0, 0)),
        ],
        out_specs=pl.BlockSpec((BB, N // 2, 2 * H), lambda i: (i, 0, 0)),
        out_shape=jax.ShapeDtypeStruct((B, N // 2, 2 * H), jnp.float32),
    )

    xp = x.reshape(B, N // 4, 4 * D)
    ys = jnp.transpose(y.reshape(B, N // 4, 4), (0, 2, 1))
    out = call(xp, ys, Wd, T4)
    return out.reshape(B, N, H)

# --- scband reference (transcript-rebuilt; emitter-appended) ---
"""Pipeline reference for scband-feature-tokenizer-55508157334112 (READ-ONLY COPY).

The authoritative reference and input builder live on the scoring server;
editing this copy changes nothing except your own understanding.
"""

import jax, jax.numpy as jnp
import numpy as np

B, N, D, C, H = 256, 2048, 32, 100, 64

def setup_inputs(seed: int = 0) -> dict:
    key = jax.random.key(seed)
    k1, k2, k3, k4, k5 = jax.random.split(key, 5)
    x = jax.random.normal(k1, (B, N, D), dtype=jnp.float32)
    y = jax.random.randint(k2, (B, N), 0, C)
    # nn.Linear(n_features, d_model): weight (H, D), bias (H,)
    bound = 1.0 / np.sqrt(D)
    W = jax.random.uniform(k3, (H, D), dtype=jnp.float32, minval=-bound, maxval=bound)
    b = jax.random.uniform(k4, (H,), dtype=jnp.float32, minval=-bound, maxval=bound)
    # nn.Embedding(n_classes, d_model): table (C, H)
    table = jax.random.normal(k5, (C, H), dtype=jnp.float32)
    return {"x": x, "y": y, "W": W, "b": b, "table": table}

def reference(x, y, W, b, table):
    # encode_support: feature_proj(x) + label_emb(y)
    proj = jnp.einsum('bnd,hd->bnh', x, W) + b  # Linear
    lab = jnp.take(table, y, axis=0)            # embedding gather (B, N, H)
    return proj + lab

if __name__ == "__main__":
    import jax
    _d = setup_inputs()
    print(jax.jit(kernel)(*tuple(_d.values())))

</pallas_src>

<mosaic_0001>
module attributes {stable_mosaic.version = 14 : i64} {
  func.func @_tokenizer_kernel(%arg0: i32, %arg1: memref<8x512x128xf32, #tpu.memory_space<vmem>>, %arg2: memref<8x4x512xi32, #tpu.memory_space<vmem>>, %arg3: memref<128x256xf32, #tpu.memory_space<vmem>>, %arg4: memref<4x128x256xf32, #tpu.memory_space<vmem>>, %arg5: memref<8x1024x128xf32, #tpu.memory_space<vmem>>) attributes {dimension_semantics = [#tpu.dimension_semantics<arbitrary>], iteration_bounds = array<i64: 32>, scalar_prefetch = 0 : i64, scratch_operands = 0 : i64, tpu.core_type = #tpu.core_type<tc>, window_params = [{transform_indices = @transform_0, window_bounds = array<i64: 8, 512, 128>}, {transform_indices = @transform_1, window_bounds = array<i64: 8, 4, 512>}, {pipeline_mode = #tpu.pipeline_mode<synchronous>, transform_indices = @transform_2, window_bounds = array<i64: 128, 256>}, {pipeline_mode = #tpu.pipeline_mode<synchronous>, transform_indices = @transform_3, window_bounds = array<i64: 4, 128, 256>}, {transform_indices = @transform_4, window_bounds = array<i64: 8, 1024, 128>}]} {
    %iota3A = tpu.iota {dimensions = array<i32: 1>} : vector<1x128xi32>
    %get3A = arith.constant 0 : index
    %get3A_0 = arith.constant 0 : index
    %get3A_1 = arith.constant 0 : index
    %get3A_2 = vector.load %arg1[%get3A, %get3A_0, %get3A_1] : memref<8x512x128xf32, #tpu.memory_space<vmem>>, vector<1x512x128xf32>
    %get3A_3 = vector.shape_cast %get3A_2 : vector<1x512x128xf32> to vector<512x128xf32>
    %get3A_4 = arith.constant 0 : index
    %get3A_5 = arith.constant 0 : index
    %get3A_6 = vector.load %arg3[%get3A_4, %get3A_5] : memref<128x256xf32, #tpu.memory_space<vmem>>, vector<128x256xf32>
    %dot_general3A = arith.constant dense<0.000000e+00> : vector<512x256xf32>
    %dot_general3A_7 = tpu.matmul %get3A_3, %get3A_6, %dot_general3A {dimension_numbers = #tpu.dot_dimension_numbers<[1], [0], [0], [1], [0, 0, 1, 1], [], []>, transpose_lhs_hint = false} : vector<512x128xf32>, vector<128x256xf32>, vector<512x256xf32> -> vector<512x256xf32>
    %get3A_8 = arith.constant 0 : index
    %get3A_9 = arith.constant 0 : index
    %get3A_10 = arith.constant 0 : index
    %get3A_11 = vector.load %arg2[%get3A_8, %get3A_9, %get3A_10] : memref<8x4x512xi32, #tpu.memory_space<vmem>>, vector<1x1x512xi32>
    %get3A_12 = vector.shape_cast %get3A_11 : vector<1x1x512xi32> to vector<512xi32>
    %broadcast_in_dim3A = vector.shape_cast %get3A_12 : vector<512xi32> to vector<512x1xi32>
    %eq3A = vector.broadcast %broadcast_in_dim3A : vector<512x1xi32> to vector<512x128xi32>
    %eq3A_13 = vector.broadcast %iota3A : vector<1x128xi32> to vector<512x128xi32>
    %eq3A_14 = arith.cmpi eq, %eq3A, %eq3A_13 : vector<512x128xi32>
    %convert_element_type3A = arith.extui %eq3A_14 : vector<512x128xi1> to vector<512x128xi32>
    %convert_element_type3A_15 = arith.sitofp %convert_element_type3A : vector<512x128xi32> to vector<512x128xf32>
    %get3A_16 = arith.constant 0 : index
    %get3A_17 = arith.constant 0 : index
    %get3A_18 = arith.constant 0 : index
    %get3A_19 = vector.load %arg4[%get3A_16, %get3A_17, %get3A_18] : memref<4x128x256xf32, #tpu.memory_space<vmem>>, vector<1x128x256xf32>
    %get3A_20 = vector.shape_cast %get3A_19 : vector<1x128x256xf32> to vector<128x256xf32>
    %dot_general3A_21 = arith.constant dense<0.000000e+00> : vector<512x256xf32>
    %dot_general3A_22 = tpu.matmul %convert_element_type3A_15, %get3A_20, %dot_general3A_21 {dimension_numbers = #tpu.dot_dimension_numbers<[1], [0], [0], [1], [0, 0, 1, 1], [], []>, transpose_lhs_hint = false} : vector<512x128xf32>, vector<128x256xf32>, vector<512x256xf32> -> vector<512x256xf32>
    %add3A = arith.addf %dot_general3A_7, %dot_general3A_22 : vector<512x256xf32>
    %get3A_23 = arith.constant 0 : index
    %get3A_24 = arith.constant 1 : index
    %get3A_25 = arith.constant 0 : index
    %get3A_26 = vector.load %arg2[%get3A_23, %get3A_24, %get3A_25] : memref<8x4x512xi32, #tpu.memory_space<vmem>>, vector<1x1x512xi32>
    %get3A_27 = vector.shape_cast %get3A_26 : vector<1x1x512xi32> to vector<512xi32>
    %broadcast_in_dim3A_28 = vector.shape_cast %get3A_27 : vector<512xi32> to vector<512x1xi32>
    %eq3A_29 = vector.broadcast %broadcast_in_dim3A_28 : vector<512x1xi32> to vector<512x128xi32>
    %eq3A_30 = vector.broadcast %iota3A : vector<1x128xi32> to vector<512x128xi32>
    %eq3A_31 = arith.cmpi eq, %eq3A_29, %eq3A_30 : vector<512x128xi32>
    %convert_element_type3A_32 = arith.extui %eq3A_31 : vector<512x128xi1> to vector<512x128xi32>
    %convert_element_type3A_33 = arith.sitofp %convert_element_type3A_32 : vector<512x128xi32> to vector<512x128xf32>
    %get3A_34 = arith.constant 1 : index
    %get3A_35 = arith.constant 0 : index
    %get3A_36 = arith.constant 0 : index
    %get3A_37 = vector.load %arg4[%get3A_34, %get3A_35, %get3A_36] : memref<4x128x256xf32, #tpu.memory_space<vmem>>, vector<1x128x256xf32>
    %get3A_38 = vector.shape_cast %get3A_37 : vector<1x128x256xf32> to vector<128x256xf32>
    %dot_general3A_39 = arith.constant dense<0.000000e+00> : vector<512x256xf32>
    %dot_general3A_40 = tpu.matmul %convert_element_type3A_33, %get3A_38, %dot_general3A_39 {dimension_numbers = #tpu.dot_dimension_numbers<[1], [0], [0], [1], [0, 0, 1, 1], [], []>, transpose_lhs_hint = false} : vector<512x128xf32>, vector<128x256xf32>, vector<512x256xf32> -> vector<512x256xf32>
    %add3A_41 = arith.addf %add3A, %dot_general3A_40 : vector<512x256xf32>
    %get3A_42 = arith.constant 0 : index
    %get3A_43 = arith.constant 2 : index
    %get3A_44 = arith.constant 0 : index
    %get3A_45 = vector.load %arg2[%get3A_42, %get3A_43, %get3A_44] : memref<8x4x512xi32, #tpu.memory_space<vmem>>, vector<1x1x512xi32>
    %get3A_46 = vector.shape_cast %get3A_45 : vector<1x1x512xi32> to vector<512xi32>
    %broadcast_in_dim3A_47 = vector.shape_cast %get3A_46 : vector<512xi32> to vector<512x1xi32>
    %eq3A_48 = vector.broadcast %broadcast_in_dim3A_47 : vector<512x1xi32> to vector<512x128xi32>
    %eq3A_49 = vector.broadcast %iota3A : vector<1x128xi32> to vector<512x128xi32>
    %eq3A_50 = arith.cmpi eq, %eq3A_48, %eq3A_49 : vector<512x128xi32>
    %convert_element_type3A_51 = arith.extui %eq3A_50 : vector<512x128xi1> to vector<512x128xi32>
    %convert_element_type3A_52 = arith.sitofp %convert_element_type3A_51 : vector<512x128xi32> to vector<512x128xf32>
    %get3A_53 = arith.constant 2 : index
    %get3A_54 = arith.constant 0 : index
    %get3A_55 = arith.constant 0 : index
    %get3A_56 = vector.load %arg4[%get3A_53, %get3A_54, %get3A_55] : memref<4x128x256xf32, #tpu.memory_space<vmem>>, vector<1x128x256xf32>
    %get3A_57 = vector.shape_cast %get3A_56 : vector<1x128x256xf32> to vector<128x256xf32>
    %dot_general3A_58 = arith.constant dense<0.000000e+00> : vector<512x256xf32>
    %dot_general3A_59 = tpu.matmul %convert_element_type3A_52, %get3A_57, %dot_general3A_58 {dimension_numbers = #tpu.dot_dimension_numbers<[1], [0], [0], [1], [0, 0, 1, 1], [], []>, transpose_lhs_hint = false} : vector<512x128xf32>, vector<128x256xf32>, vector<512x256xf32> -> vector<512x256xf32>
    %add3A_60 = arith.addf %add3A_41, %dot_general3A_59 : vector<512x256xf32>
    %get3A_61 = arith.constant 0 : index
    %get3A_62 = arith.constant 3 : index
    %get3A_63 = arith.constant 0 : index
    %get3A_64 = vector.load %arg2[%get3A_61, %get3A_62, %get3A_63] : memref<8x4x512xi32, #tpu.memory_space<vmem>>, vector<1x1x512xi32>
    %get3A_65 = vector.shape_cast %get3A_64 : vector<1x1x512xi32> to vector<512xi32>
    %broadcast_in_dim3A_66 = vector.shape_cast %get3A_65 : vector<512xi32> to vector<512x1xi32>
    %eq3A_67 = vector.broadcast %broadcast_in_dim3A_66 : vector<512x1xi32> to vector<512x128xi32>
    %eq3A_68 = vector.broadcast %iota3A : vector<1x128xi32> to vector<512x128xi32>
    %eq3A_69 = arith.cmpi eq, %eq3A_67, %eq3A_68 : vector<512x128xi32>
    %convert_element_type3A_70 = arith.extui %eq3A_69 : vector<512x128xi1> to vector<512x128xi32>
    %convert_element_type3A_71 = arith.sitofp %convert_element_type3A_70 : vector<512x128xi32> to vector<512x128xf32>
    %get3A_72 = arith.constant 3 : index
    %get3A_73 = arith.constant 0 : index
    %get3A_74 = arith.constant 0 : index
    %get3A_75 = vector.load %arg4[%get3A_72, %get3A_73, %get3A_74] : memref<4x128x256xf32, #tpu.memory_space<vmem>>, vector<1x128x256xf32>
    %get3A_76 = vector.shape_cast %get3A_75 : vector<1x128x256xf32> to vector<128x256xf32>
    %dot_general3A_77 = arith.constant dense<0.000000e+00> : vector<512x256xf32>
    %dot_general3A_78 = tpu.matmul %convert_element_type3A_71, %get3A_76, %dot_general3A_77 {dimension_numbers = #tpu.dot_dimension_numbers<[1], [0], [0], [1], [0, 0, 1, 1], [], []>, transpose_lhs_hint = false} : vector<512x128xf32>, vector<128x256xf32>, vector<512x256xf32> -> vector<512x256xf32>
    %add3A_79 = arith.addf %add3A_60, %dot_general3A_78 : vector<512x256xf32>
    %reshape3A = vector.shape_cast %add3A_79 : vector<512x256xf32> to vector<1024x128xf32>
    %swap3A = arith.constant 0 : index
    %swap3A_80 = arith.constant 0 : index
    %swap3A_81 = arith.constant 0 : index
    %swap3A_82 = vector.load %arg5[%swap3A, %swap3A_80, %swap3A_81] : memref<8x1024x128xf32, #tpu.memory_space<vmem>>, vector<1x1024x128xf32>
    %swap3A_83 = vector.shape_cast %swap3A_82 : vector<1x1024x128xf32> to vector<1024x128xf32>
    %swap3A_84 = vector.shape_cast %reshape3A : vector<1024x128xf32> to vector<1x1024x128xf32>
    tpu.vector_store %arg5[%swap3A, %swap3A_80, %swap3A_81], %swap3A_84 {strides = array<i32>} : memref<8x1024x128xf32, #tpu.memory_space<vmem>>, vector<1x1024x128xf32>,
    %get3A_85 = arith.constant 1 : index
    %get3A_86 = arith.constant 0 : index
    %get3A_87 = arith.constant 0 : index
    %get3A_88 = vector.load %arg1[%get3A_85, %get3A_86, %get3A_87] : memref<8x512x128xf32, #tpu.memory_space<vmem>>, vector<1x512x128xf32>
    %get3A_89 = vector.shape_cast %get3A_88 : vector<1x512x128xf32> to vector<512x128xf32>
    %get3A_90 = arith.constant 0 : index
    %get3A_91 = arith.constant 0 : index
    %get3A_92 = vector.load %arg3[%get3A_90, %get3A_91] : memref<128x256xf32, #tpu.memory_space<vmem>>, vector<128x256xf32>
    %dot_general3A_93 = arith.constant dense<0.000000e+00> : vector<512x256xf32>
    %dot_general3A_94 = tpu.matmul %get3A_89, %get3A_92, %dot_general3A_93 {dimension_numbers = #tpu.dot_dimension_numbers<[1], [0], [0], [1], [0, 0, 1, 1], [], []>, transpose_lhs_hint = false} : vector<512x128xf32>, vector<128x256xf32>, vector<512x256xf32> -> vector<512x256xf32>
    %get3A_95 = arith.constant 1 : index
    %get3A_96 = arith.constant 0 : index
    %get3A_97 = arith.constant 0 : index
    %get3A_98 = vector.load %arg2[%get3A_95, %get3A_96, %get3A_97] : memref<8x4x512xi32, #tpu.memory_space<vmem>>, vector<1x1x512xi32>
    %get3A_99 = vector.shape_cast %get3A_98 : vector<1x1x512xi32> to vector<512xi32>
    %broadcast_in_dim3A_100 = vector.shape_cast %get3A_99 : vector<512xi32> to vector<512x1xi32>
    %eq3A_101 = vector.broadcast %broadcast_in_dim3A_100 : vector<512x1xi32> to vector<512x128xi32>
    %eq3A_102 = vector.broadcast %iota3A : vector<1x128xi32> to vector<512x128xi32>
    %eq3A_103 = arith.cmpi eq, %eq3A_101, %eq3A_102 : vector<512x128xi32>
    %convert_element_type3A_104 = arith.extui %eq3A_103 : vector<512x128xi1> to vector<512x128xi32>
    %convert_element_type3A_105 = arith.sitofp %convert_element_type3A_104 : vector<512x128xi32> to vector<512x128xf32>
    %get3A_106 = arith.constant 0 : index
    %get3A_107 = arith.constant 0 : index
    %get3A_108 = arith.constant 0 : index
    %get3A_109 = vector.load %arg4[%get3A_106, %get3A_107, %get3A_108] : memref<4x128x256xf32, #tpu.memory_space<vmem>>, vector<1x128x256xf32>
    %get3A_110 = vector.shape_cast %get3A_109 : vector<1x128x256xf32> to vector<128x256xf32>
    %dot_general3A_111 = arith.constant dense<0.000000e+00> : vector<512x256xf32>
    %dot_general3A_112 = tpu.matmul %convert_element_type3A_105, %get3A_110, %dot_general3A_111 {dimension_numbers = #tpu.dot_dimension_numbers<[1], [0], [0], [1], [0, 0, 1, 1], [], []>, transpose_lhs_hint = false} : vector<512x128xf32>, vector<128x256xf32>, vector<512x256xf32> -> vector<512x256xf32>
    %add3A_113 = arith.addf %dot_general3A_94, %dot_general3A_112 : vector<512x256xf32>
    %get3A_114 = arith.constant 1 : index
    %get3A_115 = arith.constant 1 : index
    %get3A_116 = arith.constant 0 : index
    %get3A_117 = vector.load %arg2[%get3A_114, %get3A_115, %get3A_116] : memref<8x4x512xi32, #tpu.memory_space<vmem>>, vector<1x1x512xi32>
    %get3A_118 = vector.shape_cast %get3A_117 : vector<1x1x512xi32> to vector<512xi32>
    %broadcast_in_dim3A_119 = vector.shape_cast %get3A_118 : vector<512xi32> to vector<512x1xi32>
    %eq3A_120 = vector.broadcast %broadcast_in_dim3A_119 : vector<512x1xi32> to vector<512x128xi32>
    %eq3A_121 = vector.broadcast %iota3A : vector<1x128xi32> to vector<512x128xi32>
    %eq3A_122 = arith.cmpi eq, %eq3A_120, %eq3A_121 : vector<512x128xi32>
    %convert_element_type3A_123 = arith.extui %eq3A_122 : vector<512x128xi1> to vector<512x128xi32>
    %convert_element_type3A_124 = arith.sitofp %convert_element_type3A_123 : vector<512x128xi32> to vector<512x128xf32>
    %get3A_125 = arith.constant 1 : index
    %get3A_126 = arith.constant 0 : index
    %get3A_127 = arith.constant 0 : index
    %get3A_128 = vector.load %arg4[%get3A_125, %get3A_126, %get3A_127] : memref<4x128x256xf32, #tpu.memory_space<vmem>>, vector<1x128x256xf32>
    %get3A_129 = vector.shape_cast %get3A_128 : vector<1x128x256xf32> to vector<128x256xf32>
    %dot_general3A_130 = arith.constant dense<0.000000e+00> : vector<512x256xf32>
    %dot_general3A_131 = tpu.matmul %convert_element_type3A_124, %get3A_129, %dot_general3A_130 {dimension_numbers = #tpu.dot_dimension_numbers<[1], [0], [0], [1], [0, 0, 1, 1], [], []>, transpose_lhs_hint = false} : vector<512x128xf32>, vector<128x256xf32>, vector<512x256xf32> -> vector<512x256xf32>
    %add3A_132 = arith.addf %add3A_113, %dot_general3A_131 : vector<512x256xf32>
    %get3A_133 = arith.constant 1 : index
    %get3A_134 = arith.constant 2 : index
    %get3A_135 = arith.constant 0 : index
    %get3A_136 = vector.load %arg2[%get3A_133, %get3A_134, %get3A_135] : memref<8x4x512xi32, #tpu.memory_space<vmem>>, vector<1x1x512xi32>
    %get3A_137 = vector.shape_cast %get3A_136 : vector<1x1x512xi32> to vector<512xi32>
    %broadcast_in_dim3A_138 = vector.shape_cast %get3A_137 : vector<512xi32> to vector<512x1xi32>
    %eq3A_139 = vector.broadcast %broadcast_in_dim3A_138 : vector<512x1xi32> to vector<512x128xi32>
    %eq3A_140 = vector.broadcast %iota3A : vector<1x128xi32> to vector<512x128xi32>
    %eq3A_141 = arith.cmpi eq, %eq3A_139, %eq3A_140 : vector<512x128xi32>
    %convert_element_type3A_142 = arith.extui %eq3A_141 : vector<512x128xi1> to vector<512x128xi32>
    %convert_element_type3A_143 = arith.sitofp %convert_element_type3A_142 : vector<512x128xi32> to vector<512x128xf32>
    %get3A_144 = arith.constant 2 : index
    %get3A_145 = arith.constant 0 : index
    %get3A_146 = arith.constant 0 : index
    %get3A_147 = vector.load %arg4[%get3A_144, %get3A_145, %get3A_146] : memref<4x128x256xf32, #tpu.memory_space<vmem>>, vector<1x128x256xf32>
    %get3A_148 = vector.shape_cast %get3A_147 : vector<1x128x256xf32> to vector<128x256xf32>
    %dot_general3A_149 = arith.constant dense<0.000000e+00> : vector<512x256xf32>
    %dot_general3A_150 = tpu.matmul %convert_element_type3A_143, %get3A_148, %dot_general3A_149 {dimension_numbers = #tpu.dot_dimension_numbers<[1], [0], [0], [1], [0, 0, 1, 1], [], []>, transpose_lhs_hint = false} : vector<512x128xf32>, vector<128x256xf32>, vector<512x256xf32> -> vector<512x256xf32>
    %add3A_151 = arith.addf %add3A_132, %dot_general3A_150 : vector<512x256xf32>
    %get3A_152 = arith.constant 1 : index
    %get3A_153 = arith.constant 3 : index
    %get3A_154 = arith.constant 0 : index
    %get3A_155 = vector.load %arg2[%get3A_152, %get3A_153, %get3A_154] : memref<8x4x512xi32, #tpu.memory_space<vmem>>, vector<1x1x512xi32>
    %get3A_156 = vector.shape_cast %get3A_155 : vector<1x1x512xi32> to vector<512xi32>
    %broadcast_in_dim3A_157 = vector.shape_cast %get3A_156 : vector<512xi32> to vector<512x1xi32>
    %eq3A_158 = vector.broadcast %broadcast_in_dim3A_157 : vector<512x1xi32> to vector<512x128xi32>
    %eq3A_159 = vector.broadcast %iota3A : vector<1x128xi32> to vector<512x128xi32>
    %eq3A_160 = arith.cmpi eq, %eq3A_158, %eq3A_159 : vector<512x128xi32>
    %convert_element_type3A_161 = arith.extui %eq3A_160 : vector<512x128xi1> to vector<512x128xi32>
    %convert_element_type3A_162 = arith.sitofp %convert_element_type3A_161 : vector<512x128xi32> to vector<512x128xf32>
    %get3A_163 = arith.constant 3 : index
    %get3A_164 = arith.constant 0 : index
    %get3A_165 = arith.constant 0 : index
    %get3A_166 = vector.load %arg4[%get3A_163, %get3A_164, %get3A_165] : memref<4x128x256xf32, #tpu.memory_space<vmem>>, vector<1x128x256xf32>
    %get3A_167 = vector.shape_cast %get3A_166 : vector<1x128x256xf32> to vector<128x256xf32>
    %dot_general3A_168 = arith.constant dense<0.000000e+00> : vector<512x256xf32>
    %dot_general3A_169 = tpu.matmul %convert_element_type3A_162, %get3A_167, %dot_general3A_168 {dimension_numbers = #tpu.dot_dimension_numbers<[1], [0], [0], [1], [0, 0, 1, 1], [], []>, transpose_lhs_hint = false} : vector<512x128xf32>, vector<128x256xf32>, vector<512x256xf32> -> vector<512x256xf32>
    %add3A_170 = arith.addf %add3A_151, %dot_general3A_169 : vector<512x256xf32>
    %reshape3A_171 = vector.shape_cast %add3A_170 : vector<512x256xf32> to vector<1024x128xf32>
    %swap3A_172 = arith.constant 1 : index
    %swap3A_173 = arith.constant 0 : index
    %swap3A_174 = arith.constant 0 : index
    %swap3A_175 = vector.load %arg5[%swap3A_172, %swap3A_173, %swap3A_174] : memref<8x1024x128xf32, #tpu.memory_space<vmem>>, vector<1x1024x128xf32>
    %swap3A_176 = vector.shape_cast %swap3A_175 : vector<1x1024x128xf32> to vector<1024x128xf32>
    %swap3A_177 = vector.shape_cast %reshape3A_171 : vector<1024x128xf32> to vector<1x1024x128xf32>
    tpu.vector_store %arg5[%swap3A_172, %swap3A_173, %swap3A_174], %swap3A_177 {strides = array<i32>} : memref<8x1024x128xf32, #tpu.memory_space<vmem>>, vector<1x1024x128xf32>,
    %get3A_178 = arith.constant 2 : index
    %get3A_179 = arith.constant 0 : index
    %get3A_180 = arith.constant 0 : index
    %get3A_181 = vector.load %arg1[%get3A_178, %get3A_179, %get3A_180] : memref<8x512x128xf32, #tpu.memory_space<vmem>>, vector<1x512x128xf32>
    %get3A_182 = vector.shape_cast %get3A_181 : vector<1x512x128xf32> to vector<512x128xf32>
    %get3A_183 = arith.constant 0 : index
    %get3A_184 = arith.constant 0 : index
    %get3A_185 = vector.load %arg3[%get3A_183, %get3A_184] : memref<128x256xf32, #tpu.memory_space<vmem>>, vector<128x256xf32>
    %dot_general3A_186 = arith.constant dense<0.000000e+00> : vector<512x256xf32>
    %dot_general3A_187 = tpu.matmul %get3A_182, %get3A_185, %dot_general3A_186 {dimension_numbers = #tpu.dot_dimension_numbers<[1], [0], [0], [1], [0, 0, 1, 1], [], []>, transpose_lhs_hint = false} : vector<512x128xf32>, vector<128x256xf32>, vector<512x256xf32> -> vector<512x256xf32>
    %get3A_188 = arith.constant 2 : index
    %get3A_189 = arith.constant 0 : index
    %get3A_190 = arith.constant 0 : index
    %get3A_191 = vector.load %arg2[%get3A_188, %get3A_189, %get3A_190] : memref<8x4x512xi32, #tpu.memory_space<vmem>>, vector<1x1x512xi32>
    %get3A_192 = vector.shape_cast %get3A_191 : vector<1x1x512xi32> to vector<512xi32>
    %broadcast_in_dim3A_193 = vector.shape_cast %get3A_192 : vector<512xi32> to vector<512x1xi32>
    %eq3A_194 = vector.broadcast %broadcast_in_dim3A_193 : vector<512x1xi32> to vector<512x128xi32>
    %eq3A_195 = vector.broadcast %iota3A : vector<1x128xi32> to vector<512x128xi32>
    %eq3A_196 = arith.cmpi eq, %eq3A_194, %eq3A_195 : vector<512x128xi32>
    %convert_element_type3A_197 = arith.extui %eq3A_196 : vector<512x128xi1> to vector<512x128xi32>
    %convert_element_type3A_198 = arith.sitofp %convert_element_type3A_197 : vector<512x128xi32> to vector<512x128xf32>
    %get3A_199 = arith.constant 0 : index
    %get3A_200 = arith.constant 0 : index
    %get3A_201 = arith.constant 0 : index
    %get3A_202 = vector.load %arg4[%get3A_199, %get3A_200, %get3A_201] : memref<4x128x256xf32, #tpu.memory_space<vmem>>, vector<1x128x256xf32>
    %get3A_203 = vector.shape_cast %get3A_202 : vector<1x128x256xf32> to vector<128x256xf32>
    %dot_general3A_204 = arith.constant dense<0.000000e+00> : vector<512x256xf32>
    %dot_general3A_205 = tpu.matmul %convert_element_type3A_198, %get3A_203, %dot_general3A_204 {dimension_numbers = #tpu.dot_dimension_numbers<[1], [0], [0], [1], [0, 0, 1, 1], [], []>, transpose_lhs_hint = false} : vector<512x128xf32>, vector<128x256xf32>, vector<512x256xf32> -> vector<512x256xf32>
    %add3A_206 = arith.addf %dot_general3A_187, %dot_general3A_205 : vector<512x256xf32>
    %get3A_207 = arith.constant 2 : index
    %get3A_208 = arith.constant 1 : index
    %get3A_209 = arith.constant 0 : index
    %get3A_210 = vector.load %arg2[%get3A_207, %get3A_208, %get3A_209] : memref<8x4x512xi32, #tpu.memory_space<vmem>>, vector<1x1x512xi32>
    %get3A_211 = vector.shape_cast %get3A_210 : vector<1x1x512xi32> to vector<512xi32>
    %broadcast_in_dim3A_212 = vector.shape_cast %get3A_211 : vector<512xi32> to vector<512x1xi32>
    %eq3A_213 = vector.broadcast %broadcast_in_dim3A_212 : vector<512x1xi32> to vector<512x128xi32>
    %eq3A_214 = vector.broadcast %iota3A : vector<1x128xi32> to vector<512x128xi32>
    %eq3A_215 = arith.cmpi eq, %eq3A_213, %eq3A_214 : vector<512x128xi32>
    %convert_element_type3A_216 = arith.extui %eq3A_215 : vector<512x128xi1> to vector<512x128xi32>
    %convert_element_type3A_217 = arith.sitofp %convert_element_type3A_216 : vector<512x128xi32> to vector<512x128xf32>
    %get3A_218 = arith.constant 1 : index
    %get3A_219 = arith.constant 0 : index
    %get3A_220 = arith.constant 0 : index
    %get3A_221 = vector.load %arg4[%get3A_218, %get3A_219, %get3A_220] : memref<4x128x256xf32, #tpu.memory_space<vmem>>, vector<1x128x256xf32>
    %get3A_222 = vector.shape_cast %get3A_221 : vector<1x128x256xf32> to vector<128x256xf32>
    %dot_general3A_223 = arith.constant dense<0.000000e+00> : vector<512x256xf32>
    %dot_general3A_224 = tpu.matmul %convert_element_type3A_217, %get3A_222, %dot_general3A_223 {dimension_numbers = #tpu.dot_dimension_numbers<[1], [0], [0], [1], [0, 0, 1, 1], [], []>, transpose_lhs_hint = false} : vector<512x128xf32>, vector<128x256xf32>, vector<512x256xf32> -> vector<512x256xf32>
    %add3A_225 = arith.addf %add3A_206, %dot_general3A_224 : vector<512x256xf32>
    %get3A_226 = arith.constant 2 : index
    %get3A_227 = arith.constant 2 : index
    %get3A_228 = arith.constant 0 : index
    %get3A_229 = vector.load %arg2[%get3A_226, %get3A_227, %get3A_228] : memref<8x4x512xi32, #tpu.memory_space<vmem>>, vector<1x1x512xi32>
    %get3A_230 = vector.shape_cast %get3A_229 : vector<1x1x512xi32> to vector<512xi32>
    %broadcast_in_dim3A_231 = vector.shape_cast %get3A_230 : vector<512xi32> to vector<512x1xi32>
    %eq3A_232 = vector.broadcast %broadcast_in_dim3A_231 : vector<512x1xi32> to vector<512x128xi32>
    %eq3A_233 = vector.broadcast %iota3A : vector<1x128xi32> to vector<512x128xi32>
    %eq3A_234 = arith.cmpi eq, %eq3A_232, %eq3A_233 : vector<512x128xi32>
    %convert_element_type3A_235 = arith.extui %eq3A_234 : vector<512x128xi1> to vector<512x128xi32>
    %convert_element_type3A_236 = arith.sitofp %convert_element_type3A_235 : vector<512x128xi32> to vector<512x128xf32>
    %get3A_237 = arith.constant 2 : index
    %get3A_238 = arith.constant 0 : index
    %get3A_239 = arith.constant 0 : index
    %get3A_240 = vector.load %arg4[%get3A_237, %get3A_238, %get3A_239] : memref<4x128x256xf32, #tpu.memory_space<vmem>>, vector<1x128x256xf32>
    %get3A_241 = vector.shape_cast %get3A_240 : vector<1x128x256xf32> to vector<128x256xf32>
    %dot_general3A_242 = arith.constant dense<0.000000e+00> : vector<512x256xf32>
    %dot_general3A_243 = tpu.matmul %convert_element_type3A_236, %get3A_241, %dot_general3A_242 {dimension_numbers = #tpu.dot_dimension_numbers<[1], [0], [0], [1], [0, 0, 1, 1], [], []>, transpose_lhs_hint = false} : vector<512x128xf32>, vector<128x256xf32>, vector<512x256xf32> -> vector<512x256xf32>
    %add3A_244 = arith.addf %add3A_225, %dot_general3A_243 : vector<512x256xf32>
    %get3A_245 = arith.constant 2 : index
    %get3A_246 = arith.constant 3 : index
    %get3A_247 = arith.constant 0 : index
    %get3A_248 = vector.load %arg2[%get3A_245, %get3A_246, %get3A_247] : memref<8x4x512xi32, #tpu.memory_space<vmem>>, vector<1x1x512xi32>
    %get3A_249 = vector.shape_cast %get3A_248 : vector<1x1x512xi32> to vector<512xi32>
    %broadcast_in_dim3A_250 = vector.shape_cast %get3A_249 : vector<512xi32> to vector<512x1xi32>
    %eq3A_251 = vector.broadcast %broadcast_in_dim3A_250 : vector<512x1xi32> to vector<512x128xi32>
    %eq3A_252 = vector.broadcast %iota3A : vector<1x128xi32> to vector<512x128xi32>
    %eq3A_253 = arith.cmpi eq, %eq3A_251, %eq3A_252 : vector<512x128xi32>
    %convert_element_type3A_254 = arith.extui %eq3A_253 : vector<512x128xi1> to vector<512x128xi32>
    %convert_element_type3A_255 = arith.sitofp %convert_element_type3A_254 : vector<512x128xi32> to vector<512x128xf32>
    %get3A_256 = arith.constant 3 : index
    %get3A_257 = arith.constant 0 : index
    %get3A_258 = arith.constant 0 : index
    %get3A_259 = vector.load %arg4[%get3A_256, %get3A_257, %get3A_258] : memref<4x128x256xf32, #tpu.memory_space<vmem>>, vector<1x128x256xf32>
    %get3A_260 = vector.shape_cast %get3A_259 : vector<1x128x256xf32> to vector<128x256xf32>
    %dot_general3A_261 = arith.constant dense<0.000000e+00> : vector<512x256xf32>
    %dot_general3A_262 = tpu.matmul %convert_element_type3A_255, %get3A_260, %dot_general3A_261 {dimension_numbers = #tpu.dot_dimension_numbers<[1], [0], [0], [1], [0, 0, 1, 1], [], []>, transpose_lhs_hint = false} : vector<512x128xf32>, vector<128x256xf32>, vector<512x256xf32> -> vector<512x256xf32>
    %add3A_263 = arith.addf %add3A_244, %dot_general3A_262 : vector<512x256xf32>
    %reshape3A_264 = vector.shape_cast %add3A_263 : vector<512x256xf32> to vector<1024x128xf32>
    %swap3A_265 = arith.constant 2 : index
    %swap3A_266 = arith.constant 0 : index
    %swap3A_267 = arith.constant 0 : index
    %swap3A_268 = vector.load %arg5[%swap3A_265, %swap3A_266, %swap3A_267] : memref<8x1024x128xf32, #tpu.memory_space<vmem>>, vector<1x1024x128xf32>
    %swap3A_269 = vector.shape_cast %swap3A_268 : vector<1x1024x128xf32> to vector<1024x128xf32>
    %swap3A_270 = vector.shape_cast %reshape3A_264 : vector<1024x128xf32> to vector<1x1024x128xf32>
    tpu.vector_store %arg5[%swap3A_265, %swap3A_266, %swap3A_267], %swap3A_270 {strides = array<i32>} : memref<8x1024x128xf32, #tpu.memory_space<vmem>>, vector<1x1024x128xf32>,
    %get3A_271 = arith.constant 3 : index
    %get3A_272 = arith.constant 0 : index
    %get3A_273 = arith.constant 0 : index
    %get3A_274 = vector.load %arg1[%get3A_271, %get3A_272, %get3A_273] : memref<8x512x128xf32, #tpu.memory_space<vmem>>, vector<1x512x128xf32>
    %get3A_275 = vector.shape_cast %get3A_274 : vector<1x512x128xf32> to vector<512x128xf32>
    %get3A_276 = arith.constant 0 : index
    %get3A_277 = arith.constant 0 : index
    %get3A_278 = vector.load %arg3[%get3A_276, %get3A_277] : memref<128x256xf32, #tpu.memory_space<vmem>>, vector<128x256xf32>
    %dot_general3A_279 = arith.constant dense<0.000000e+00> : vector<512x256xf32>
    %dot_general3A_280 = tpu.matmul %get3A_275, %get3A_278, %dot_general3A_279 {dimension_numbers = #tpu.dot_dimension_numbers<[1], [0], [0], [1], [0, 0, 1, 1], [], []>, transpose_lhs_hint = false} : vector<512x128xf32>, vector<128x256xf32>, vector<512x256xf32> -> vector<512x256xf32>
    %get3A_281 = arith.constant 3 : index
    %get3A_282 = arith.constant 0 : index
    %get3A_283 = arith.constant 0 : index
    %get3A_284 = vector.load %arg2[%get3A_281, %get3A_282, %get3A_283] : memref<8x4x512xi32, #tpu.memory_space<vmem>>, vector<1x1x512xi32>
    %get3A_285 = vector.shape_cast %get3A_284 : vector<1x1x512xi32> to vector<512xi32>
    %broadcast_in_dim3A_286 = vector.shape_cast %get3A_285 : vector<512xi32> to vector<512x1xi32>
    %eq3A_287 = vector.broadcast %broadcast_in_dim3A_286 : vector<512x1xi32> to vector<512x128xi32>
    %eq3A_288 = vector.broadcast %iota3A : vector<1x128xi32> to vector<512x128xi32>
    %eq3A_289 = arith.cmpi eq, %eq3A_287, %eq3A_288 : vector<512x128xi32>
    %convert_element_type3A_290 = arith.extui %eq3A_289 : vector<512x128xi1> to vector<512x128xi32>
    %convert_element_type3A_291 = arith.sitofp %convert_element_type3A_290 : vector<512x128xi32> to vector<512x128xf32>
    %get3A_292 = arith.constant 0 : index
    %get3A_293 = arith.constant 0 : index
    %get3A_294 = arith.constant 0 : index
    %get3A_295 = vector.load %arg4[%get3A_292, %get3A_293, %get3A_294] : memref<4x128x256xf32, #tpu.memory_space<vmem>>, vector<1x128x256xf32>
    %get3A_296 = vector.shape_cast %get3A_295 : vector<1x128x256xf32> to vector<128x256xf32>
    %dot_general3A_297 = arith.constant dense<0.000000e+00> : vector<512x256xf32>
    %dot_general3A_298 = tpu.matmul %convert_element_type3A_291, %get3A_296, %dot_general3A_297 {dimension_numbers = #tpu.dot_dimension_numbers<[1], [0], [0], [1], [0, 0, 1, 1], [], []>, transpose_lhs_hint = false} : vector<512x128xf32>, vector<128x256xf32>, vector<512x256xf32> -> vector<512x256xf32>
    %add3A_299 = arith.addf %dot_general3A_280, %dot_general3A_298 : vector<512x256xf32>
    %get3A_300 = arith.constant 3 : index
    %get3A_301 = arith.constant 1 : index
    %get3A_302 = arith.constant 0 : index
    %get3A_303 = vector.load %arg2[%get3A_300, %get3A_301, %get3A_302] : memref<8x4x512xi32, #tpu.memory_space<vmem>>, vector<1x1x512xi32>
    %get3A_304 = vector.shape_cast %get3A_303 : vector<1x1x512xi32> to vector<512xi32>
    %broadcast_in_dim3A_305 = vector.shape_cast %get3A_304 : vector<512xi32> to vector<512x1xi32>
    %eq3A_306 = vector.broadcast %broadcast_in_dim3A_305 : vector<512x1xi32> to vector<512x128xi32>
    %eq3A_307 = vector.broadcast %iota3A : vector<1x128xi32> to vector<512x128xi32>
    %eq3A_308 = arith.cmpi eq, %eq3A_306, %eq3A_307 : vector<512x128xi32>
    %convert_element_type3A_309 = arith.extui %eq3A_308 : vector<512x128xi1> to vector<512x128xi32>
    %convert_element_type3A_310 = arith.sitofp %convert_element_type3A_309 : vector<512x128xi32> to vector<512x128xf32>
    %get3A_311 = arith.constant 1 : index
    %get3A_312 = arith.constant 0 : index
    %get3A_313 = arith.constant 0 : index
    %get3A_314 = vector.load %arg4[%get3A_311, %get3A_312, %get3A_313] : memref<4x128x256xf32, #tpu.memory_space<vmem>>, vector<1x128x256xf32>
    %get3A_315 = vector.shape_cast %get3A_314 : vector<1x128x256xf32> to vector<128x256xf32>
    %dot_general3A_316 = arith.constant dense<0.000000e+00> : vector<512x256xf32>
    %dot_general3A_317 = tpu.matmul %convert_element_type3A_310, %get3A_315, %dot_general3A_316 {dimension_numbers = #tpu.dot_dimension_numbers<[1], [0], [0], [1], [0, 0, 1, 1], [], []>, transpose_lhs_hint = false} : vector<512x128xf32>, vector<128x256xf32>, vector<512x256xf32> -> vector<512x256xf32>
    %add3A_318 = arith.addf %add3A_299, %dot_general3A_317 : vector<512x256xf32>
    %get3A_319 = arith.constant 3 : index
    %get3A_320 = arith.constant 2 : index
    %get3A_321 = arith.constant 0 : index
    %get3A_322 = vector.load %arg2[%get3A_319, %get3A_320, %get3A_321] : memref<8x4x512xi32, #tpu.memory_space<vmem>>, vector<1x1x512xi32>
    %get3A_323 = vector.shape_cast %get3A_322 : vector<1x1x512xi32> to vector<512xi32>
    %broadcast_in_dim3A_324 = vector.shape_cast %get3A_323 : vector<512xi32> to vector<512x1xi32>
    %eq3A_325 = vector.broadcast %broadcast_in_dim3A_324 : vector<512x1xi32> to vector<512x128xi32>
    %eq3A_326 = vector.broadcast %iota3A : vector<1x128xi32> to vector<512x128xi32>
    %eq3A_327 = arith.cmpi eq, %eq3A_325, %eq3A_326 : vector<512x128xi32>
    %convert_element_type3A_328 = arith.extui %eq3A_327 : vector<512x128xi1> to vector<512x128xi32>
    %convert_element_type3A_329 = arith.sitofp %convert_element_type3A_328 : vector<512x128xi32> to vector<512x128xf32>
    %get3A_330 = arith.constant 2 : index
    %get3A_331 = arith.constant 0 : index
    %get3A_332 = arith.constant 0 : index
    %get3A_333 = vector.load %arg4[%get3A_330, %get3A_331, %get3A_332] : memref<4x128x256xf32, #tpu.memory_space<vmem>>, vector<1x128x256xf32>
    %get3A_334 = vector.shape_cast %get3A_333 : vector<1x128x256xf32> to vector<128x256xf32>
    %dot_general3A_335 = arith.constant dense<0.000000e+00> : vector<512x256xf32>
    %dot_general3A_336 = tpu.matmul %convert_element_type3A_329, %get3A_334, %dot_general3A_335 {dimension_numbers = #tpu.dot_dimension_numbers<[1], [0], [0], [1], [0, 0, 1, 1], [], []>, transpose_lhs_hint = false} : vector<512x128xf32>, vector<128x256xf32>, vector<512x256xf32> -> vector<512x256xf32>
    %add3A_337 = arith.addf %add3A_318, %dot_general3A_336 : vector<512x256xf32>
    %get3A_338 = arith.constant 3 : index
    %get3A_339 = arith.constant 3 : index
    %get3A_340 = arith.constant 0 : index
    %get3A_341 = vector.load %arg2[%get3A_338, %get3A_339, %get3A_340] : memref<8x4x512xi32, #tpu.memory_space<vmem>>, vector<1x1x512xi32>
    %get3A_342 = vector.shape_cast %get3A_341 : vector<1x1x512xi32> to vector<512xi32>
    %broadcast_in_dim3A_343 = vector.shape_cast %get3A_342 : vector<512xi32> to vector<512x1xi32>
    %eq3A_344 = vector.broadcast %broadcast_in_dim3A_343 : vector<512x1xi32> to vector<512x128xi32>
    %eq3A_345 = vector.broadcast %iota3A : vector<1x128xi32> to vector<512x128xi32>
    %eq3A_346 = arith.cmpi eq, %eq3A_344, %eq3A_345 : vector<512x128xi32>
    %convert_element_type3A_347 = arith.extui %eq3A_346 : vector<512x128xi1> to vector<512x128xi32>
    %convert_element_type3A_348 = arith.sitofp %convert_element_type3A_347 : vector<512x128xi32> to vector<512x128xf32>
    %get3A_349 = arith.constant 3 : index
    %get3A_350 = arith.constant 0 : index
    %get3A_351 = arith.constant 0 : index
    %get3A_352 = vector.load %arg4[%get3A_349, %get3A_350, %get3A_351] : memref<4x128x256xf32, #tpu.memory_space<vmem>>, vector<1x128x256xf32>
    %get3A_353 = vector.shape_cast %get3A_352 : vector<1x128x256xf32> to vector<128x256xf32>
    %dot_general3A_354 = arith.constant dense<0.000000e+00> : vector<512x256xf32>
    %dot_general3A_355 = tpu.matmul %convert_element_type3A_348, %get3A_353, %dot_general3A_354 {dimension_numbers = #tpu.dot_dimension_numbers<[1], [0], [0], [1], [0, 0, 1, 1], [], []>, transpose_lhs_hint = false} : vector<512x128xf32>, vector<128x256xf32>, vector<512x256xf32> -> vector<512x256xf32>
    %add3A_356 = arith.addf %add3A_337, %dot_general3A_355 : vector<512x256xf32>
    %reshape3A_357 = vector.shape_cast %add3A_356 : vector<512x256xf32> to vector<1024x128xf32>
    %swap3A_358 = arith.constant 3 : index
    %swap3A_359 = arith.constant 0 : index
    %swap3A_360 = arith.constant 0 : index
    %swap3A_361 = vector.load %arg5[%swap3A_358, %swap3A_359, %swap3A_360] : memref<8x1024x128xf32, #tpu.memory_space<vmem>>, vector<1x1024x128xf32>
    %swap3A_362 = vector.shape_cast %swap3A_361 : vector<1x1024x128xf32> to vector<1024x128xf32>
    %swap3A_363 = vector.shape_cast %reshape3A_357 : vector<1024x128xf32> to vector<1x1024x128xf32>
    tpu.vector_store %arg5[%swap3A_358, %swap3A_359, %swap3A_360], %swap3A_363 {strides = array<i32>} : memref<8x1024x128xf32, #tpu.memory_space<vmem>>, vector<1x1024x128xf32>,
    %get3A_364 = arith.constant 4 : index
    %get3A_365 = arith.constant 0 : index
    %get3A_366 = arith.constant 0 : index
    %get3A_367 = vector.load %arg1[%get3A_364, %get3A_365, %get3A_366] : memref<8x512x128xf32, #tpu.memory_space<vmem>>, vector<1x512x128xf32>
    %get3A_368 = vector.shape_cast %get3A_367 : vector<1x512x128xf32> to vector<512x128xf32>
    %get3A_369 = arith.constant 0 : index
    %get3A_370 = arith.constant 0 : index
    %get3A_371 = vector.load %arg3[%get3A_369, %get3A_370] : memref<128x256xf32, #tpu.memory_space<vmem>>, vector<128x256xf32>
    %dot_general3A_372 = arith.constant dense<0.000000e+00> : vector<512x256xf32>
    %dot_general3A_373 = tpu.matmul %get3A_368, %get3A_371, %dot_general3A_372 {dimension_numbers = #tpu.dot_dimension_numbers<[1], [0], [0], [1], [0, 0, 1, 1], [], []>, transpose_lhs_hint = false} : vector<512x128xf32>, vector<128x256xf32>, vector<512x256xf32> -> vector<512x256xf32>
    %get3A_374 = arith.constant 4 : index
    %get3A_375 = arith.constant 0 : index
    %get3A_376 = arith.constant 0 : index
    %get3A_377 = vector.load %arg2[%get3A_374, %get3A_375, %get3A_376] : memref<8x4x512xi32, #tpu.memory_space<vmem>>, vector<1x1x512xi32>
    %get3A_378 = vector.shape_cast %get3A_377 : vector<1x1x512xi32> to vector<512xi32>
    %broadcast_in_dim3A_379 = vector.shape_cast %get3A_378 : vector<512xi32> to vector<512x1xi32>
    %eq3A_380 = vector.broadcast %broadcast_in_dim3A_379 : vector<512x1xi32> to vector<512x128xi32>
    %eq3A_381 = vector.broadcast %iota3A : vector<1x128xi32> to vector<512x128xi32>
    %eq3A_382 = arith.cmpi eq, %eq3A_380, %eq3A_381 : vector<512x128xi32>
    %convert_element_type3A_383 = arith.extui %eq3A_382 : vector<512x128xi1> to vector<512x128xi32>
    %convert_element_type3A_384 = arith.sitofp %convert_element_type3A_383 : vector<512x128xi32> to vector<512x128xf32>
    %get3A_385 = arith.constant 0 : index
    %get3A_386 = arith.constant 0 : index
    %get3A_387 = arith.constant 0 : index
    %get3A_388 = vector.load %arg4[%get3A_385, %get3A_386, %get3A_387] : memref<4x128x256xf32, #tpu.memory_space<vmem>>, vector<1x128x256xf32>
    %get3A_389 = vector.shape_cast %get3A_388 : vector<1x128x256xf32> to vector<128x256xf32>
    %dot_general3A_390 = arith.constant dense<0.000000e+00> : vector<512x256xf32>
    %dot_general3A_391 = tpu.matmul %convert_element_type3A_384, %get3A_389, %dot_general3A_390 {dimension_numbers = #tpu.dot_dimension_numbers<[1], [0], [0], [1], [0, 0, 1, 1], [], []>, transpose_lhs_hint = false} : vector<512x128xf32>, vector<128x256xf32>, vector<512x256xf32> -> vector<512x256xf32>
    %add3A_392 = arith.addf %dot_general3A_373, %dot_general3A_391 : vector<512x256xf32>
    %get3A_393 = arith.constant 4 : index
    %get3A_394 = arith.constant 1 : index
    %get3A_395 = arith.constant 0 : index
    %get3A_396 = vector.load %arg2[%get3A_393, %get3A_394, %get3A_395] : memref<8x4x512xi32, #tpu.memory_space<vmem>>, vector<1x1x512xi32>
    %get3A_397 = vector.shape_cast %get3A_396 : vector<1x1x512xi32> to vector<512xi32>
    %broadcast_in_dim3A_398 = vector.shape_cast %get3A_397 : vector<512xi32> to vector<512x1xi32>
    %eq3A_399 = vector.broadcast %broadcast_in_dim3A_398 : vector<512x1xi32> to vector<512x128xi32>
    %eq3A_400 = vector.broadcast %iota3A : vector<1x128xi32> to vector<512x128xi32>
    %eq3A_401 = arith.cmpi eq, %eq3A_399, %eq3A_400 : vector<512x128xi32>
    %convert_element_type3A_402 = arith.extui %eq3A_401 : vector<512x128xi1> to vector<512x128xi32>
    %convert_element_type3A_403 = arith.sitofp %convert_element_type3A_402 : vector<512x128xi32> to vector<512x128xf32>
    %get3A_404 = arith.constant 1 : index
    %get3A_405 = arith.constant 0 : index
    %get3A_406 = arith.constant 0 : index
    %get3A_407 = vector.load %arg4[%get3A_404, %get3A_405, %get3A_406] : memref<4x128x256xf32, #tpu.memory_space<vmem>>, vector<1x128x256xf32>
    %get3A_408 = vector.shape_cast %get3A_407 : vector<1x128x256xf32> to vector<128x256xf32>
    %dot_general3A_409 = arith.constant dense<0.000000e+00> : vector<512x256xf32>
    %dot_general3A_410 = tpu.matmul %convert_element_type3A_403, %get3A_408, %dot_general3A_409 {dimension_numbers = #tpu.dot_dimension_numbers<[1], [0], [0], [1], [0, 0, 1, 1], [], []>, transpose_lhs_hint = false} : vector<512x128xf32>, vector<128x256xf32>, vector<512x256xf32> -> vector<512x256xf32>
    %add3A_411 = arith.addf %add3A_392, %dot_general3A_410 : vector<512x256xf32>
    %get3A_412 = arith.constant 4 : index
    %get3A_413 = arith.constant 2 : index
    %get3A_414 = arith.constant 0 : index
    %get3A_415 = vector.load %arg2[%get3A_412, %get3A_413, %get3A_414] : memref<8x4x512xi32, #tpu.memory_space<vmem>>, vector<1x1x512xi32>
    %get3A_416 = vector.shape_cast %get3A_415 : vector<1x1x512xi32> to vector<512xi32>
    %broadcast_in_dim3A_417 = vector.shape_cast %get3A_416 : vector<512xi32> to vector<512x1xi32>
    %eq3A_418 = vector.broadcast %broadcast_in_dim3A_417 : vector<512x1xi32> to vector<512x128xi32>
    %eq3A_419 = vector.broadcast %iota3A : vector<1x128xi32> to vector<512x128xi32>
    %eq3A_420 = arith.cmpi eq, %eq3A_418, %eq3A_419 : vector<512x128xi32>
    %convert_element_type3A_421 = arith.extui %eq3A_420 : vector<512x128xi1> to vector<512x128xi32>
    %convert_element_type3A_422 = arith.sitofp %convert_element_type3A_421 : vector<512x128xi32> to vector<512x128xf32>
    %get3A_423 = arith.constant 2 : index
    %get3A_424 = arith.constant 0 : index
    %get3A_425 = arith.constant 0 : index
    %get3A_426 = vector.load %arg4[%get3A_423, %get3A_424, %get3A_425] : memref<4x128x256xf32, #tpu.memory_space<vmem>>, vector<1x128x256xf32>
    %get3A_427 = vector.shape_cast %get3A_426 : vector<1x128x256xf32> to vector<128x256xf32>
    %dot_general3A_428 = arith.constant dense<0.000000e+00> : vector<512x256xf32>
    %dot_general3A_429 = tpu.matmul %convert_element_type3A_422, %get3A_427, %dot_general3A_428 {dimension_numbers = #tpu.dot_dimension_numbers<[1], [0], [0], [1], [0, 0, 1, 1], [], []>, transpose_lhs_hint = false} : vector<512x128xf32>, vector<128x256xf32>, vector<512x256xf32> -> vector<512x256xf32>
    %add3A_430 = arith.addf %add3A_411, %dot_general3A_429 : vector<512x256xf32>
    %get3A_431 = arith.constant 4 : index
    %get3A_432 = arith.constant 3 : index
    %get3A_433 = arith.constant 0 : index
    %get3A_434 = vector.load %arg2[%get3A_431, %get3A_432, %get3A_433] : memref<8x4x512xi32, #tpu.memory_space<vmem>>, vector<1x1x512xi32>
    %get3A_435 = vector.shape_cast %get3A_434 : vector<1x1x512xi32> to vector<512xi32>
    %broadcast_in_dim3A_436 = vector.shape_cast %get3A_435 : vector<512xi32> to vector<512x1xi32>
    %eq3A_437 = vector.broadcast %broadcast_in_dim3A_436 : vector<512x1xi32> to vector<512x128xi32>
    %eq3A_438 = vector.broadcast %iota3A : vector<1x128xi32> to vector<512x128xi32>
    %eq3A_439 = arith.cmpi eq, %eq3A_437, %eq3A_438 : vector<512x128xi32>
    %convert_element_type3A_440 = arith.extui %eq3A_439 : vector<512x128xi1> to vector<512x128xi32>
    %convert_element_type3A_441 = arith.sitofp %convert_element_type3A_440 : vector<512x128xi32> to vector<512x128xf32>
    %get3A_442 = arith.constant 3 : index
    %get3A_443 = arith.constant 0 : index
    %get3A_444 = arith.constant 0 : index
    %get3A_445 = vector.load %arg4[%get3A_442, %get3A_443, %get3A_444] : memref<4x128x256xf32, #tpu.memory_space<vmem>>, vector<1x128x256xf32>
    %get3A_446 = vector.shape_cast %get3A_445 : vector<1x128x256xf32> to vector<128x256xf32>
    %dot_general3A_447 = arith.constant dense<0.000000e+00> : vector<512x256xf32>
    %dot_general3A_448 = tpu.matmul %convert_element_type3A_441, %get3A_446, %dot_general3A_447 {dimension_numbers = #tpu.dot_dimension_numbers<[1], [0], [0], [1], [0, 0, 1, 1], [], []>, transpose_lhs_hint = false} : vector<512x128xf32>, vector<128x256xf32>, vector<512x256xf32> -> vector<512x256xf32>
    %add3A_449 = arith.addf %add3A_430, %dot_general3A_448 : vector<512x256xf32>
    %reshape3A_450 = vector.shape_cast %add3A_449 : vector<512x256xf32> to vector<1024x128xf32>
    %swap3A_451 = arith.constant 4 : index
    %swap3A_452 = arith.constant 0 : index
    %swap3A_453 = arith.constant 0 : index
    %swap3A_454 = vector.load %arg5[%swap3A_451, %swap3A_452, %swap3A_453] : memref<8x1024x128xf32, #tpu.memory_space<vmem>>, vector<1x1024x128xf32>
    %swap3A_455 = vector.shape_cast %swap3A_454 : vector<1x1024x128xf32> to vector<1024x128xf32>
    %swap3A_456 = vector.shape_cast %reshape3A_450 : vector<1024x128xf32> to vector<1x1024x128xf32>
    tpu.vector_store %arg5[%swap3A_451, %swap3A_452, %swap3A_453], %swap3A_456 {strides = array<i32>} : memref<8x1024x128xf32, #tpu.memory_space<vmem>>, vector<1x1024x128xf32>,
    %get3A_457 = arith.constant 5 : index
    %get3A_458 = arith.constant 0 : index
    %get3A_459 = arith.constant 0 : index
    %get3A_460 = vector.load %arg1[%get3A_457, %get3A_458, %get3A_459] : memref<8x512x128xf32, #tpu.memory_space<vmem>>, vector<1x512x128xf32>
    %get3A_461 = vector.shape_cast %get3A_460 : vector<1x512x128xf32> to vector<512x128xf32>
    %get3A_462 = arith.constant 0 : index
    %get3A_463 = arith.constant 0 : index
    %get3A_464 = vector.load %arg3[%get3A_462, %get3A_463] : memref<128x256xf32, #tpu.memory_space<vmem>>, vector<128x256xf32>
    %dot_general3A_465 = arith.constant dense<0.000000e+00> : vector<512x256xf32>
    %dot_general3A_466 = tpu.matmul %get3A_461, %get3A_464, %dot_general3A_465 {dimension_numbers = #tpu.dot_dimension_numbers<[1], [0], [0], [1], [0, 0, 1, 1], [], []>, transpose_lhs_hint = false} : vector<512x128xf32>, vector<128x256xf32>, vector<512x256xf32> -> vector<512x256xf32>
    %get3A_467 = arith.constant 5 : index
    %get3A_468 = arith.constant 0 : index
    %get3A_469 = arith.constant 0 : index
    %get3A_470 = vector.load %arg2[%get3A_467, %get3A_468, %get3A_469] : memref<8x4x512xi32, #tpu.memory_space<vmem>>, vector<1x1x512xi32>
    %get3A_471 = vector.shape_cast %get3A_470 : vector<1x1x512xi32> to vector<512xi32>
    %broadcast_in_dim3A_472 = vector.shape_cast %get3A_471 : vector<512xi32> to vector<512x1xi32>
    %eq3A_473 = vector.broadcast %broadcast_in_dim3A_472 : vector<512x1xi32> to vector<512x128xi32>
    %eq3A_474 = vector.broadcast %iota3A : vector<1x128xi32> to vector<512x128xi32>
    %eq3A_475 = arith.cmpi eq, %eq3A_473, %eq3A_474 : vector<512x128xi32>
    %convert_element_type3A_476 = arith.extui %eq3A_475 : vector<512x128xi1> to vector<512x128xi32>
    %convert_element_type3A_477 = arith.sitofp %convert_element_type3A_476 : vector<512x128xi32> to vector<512x128xf32>
    %get3A_478 = arith.constant 0 : index
    %get3A_479 = arith.constant 0 : index
    %get3A_480 = arith.constant 0 : index
    %get3A_481 = vector.load %arg4[%get3A_478, %get3A_479, %get3A_480] : memref<4x128x256xf32, #tpu.memory_space<vmem>>, vector<1x128x256xf32>
    %get3A_482 = vector.shape_cast %get3A_481 : vector<1x128x256xf32> to vector<128x256xf32>
    %dot_general3A_483 = arith.constant dense<0.000000e+00> : vector<512x256xf32>
    %dot_general3A_484 = tpu.matmul %convert_element_type3A_477, %get3A_482, %dot_general3A_483 {dimension_numbers = #tpu.dot_dimension_numbers<[1], [0], [0], [1], [0, 0, 1, 1], [], []>, transpose_lhs_hint = false} : vector<512x128xf32>, vector<128x256xf32>, vector<512x256xf32> -> vector<512x256xf32>
    %add3A_485 = arith.addf %dot_general3A_466, %dot_general3A_484 : vector<512x256xf32>
    %get3A_486 = arith.constant 5 : index
    %get3A_487 = arith.constant 1 : index
    %get3A_488 = arith.constant 0 : index
    %get3A_489 = vector.load %arg2[%get3A_486, %get3A_487, %get3A_488] : memref<8x4x512xi32, #tpu.memory_space<vmem>>, vector<1x1x512xi32>
    %get3A_490 = vector.shape_cast %get3A_489 : vector<1x1x512xi32> to vector<512xi32>
    %broadcast_in_dim3A_491 = vector.shape_cast %get3A_490 : vector<512xi32> to vector<512x1xi32>
    %eq3A_492 = vector.broadcast %broadcast_in_dim3A_491 : vector<512x1xi32> to vector<512x128xi32>
    %eq3A_493 = vector.broadcast %iota3A : vector<1x128xi32> to vector<512x128xi32>
    %eq3A_494 = arith.cmpi eq, %eq3A_492, %eq3A_493 : vector<512x128xi32>
    %convert_element_type3A_495 = arith.extui %eq3A_494 : vector<512x128xi1> to vector<512x128xi32>
    %convert_element_type3A_496 = arith.sitofp %convert_element_type3A_495 : vector<512x128xi32> to vector<512x128xf32>
    %get3A_497 = arith.constant 1 : index
    %get3A_498 = arith.constant 0 : index
    %get3A_499 = arith.constant 0 : index
    %get3A_500 = vector.load %arg4[%get3A_497, %get3A_498, %get3A_499] : memref<4x128x256xf32, #tpu.memory_space<vmem>>, vector<1x128x256xf32>
    %get3A_501 = vector.shape_cast %get3A_500 : vector<1x128x256xf32> to vector<128x256xf32>
    %dot_general3A_502 = arith.constant dense<0.000000e+00> : vector<512x256xf32>
    %dot_general3A_503 = tpu.matmul %convert_element_type3A_496, %get3A_501, %dot_general3A_502 {dimension_numbers = #tpu.dot_dimension_numbers<[1], [0], [0], [1], [0, 0, 1, 1], [], []>, transpose_lhs_hint = false} : vector<512x128xf32>, vector<128x256xf32>, vector<512x256xf32> -> vector<512x256xf32>
    %add3A_504 = arith.addf %add3A_485, %dot_general3A_503 : vector<512x256xf32>
    %get3A_505 = arith.constant 5 : index
    %get3A_506 = arith.constant 2 : index
    %get3A_507 = arith.constant 0 : index
    %get3A_508 = vector.load %arg2[%get3A_505, %get3A_506, %get3A_507] : memref<8x4x512xi32, #tpu.memory_space<vmem>>, vector<1x1x512xi32>
    %get3A_509 = vector.shape_cast %get3A_508 : vector<1x1x512xi32> to vector<512xi32>
    %broadcast_in_dim3A_510 = vector.shape_cast %get3A_509 : vector<512xi32> to vector<512x1xi32>
    %eq3A_511 = vector.broadcast %broadcast_in_dim3A_510 : vector<512x1xi32> to vector<512x128xi32>
    %eq3A_512 = vector.broadcast %iota3A : vector<1x128xi32> to vector<512x128xi32>
    %eq3A_513 = arith.cmpi eq, %eq3A_511, %eq3A_512 : vector<512x128xi32>
    %convert_element_type3A_514 = arith.extui %eq3A_513 : vector<512x128xi1> to vector<512x128xi32>
    %convert_element_type3A_515 = arith.sitofp %convert_element_type3A_514 : vector<512x128xi32> to vector<512x128xf32>
    %get3A_516 = arith.constant 2 : index
    %get3A_517 = arith.constant 0 : index
    %get3A_518 = arith.constant 0 : index
    %get3A_519 = vector.load %arg4[%get3A_516, %get3A_517, %get3A_518] : memref<4x128x256xf32, #tpu.memory_space<vmem>>, vector<1x128x256xf32>
    %get3A_520 = vector.shape_cast %get3A_519 : vector<1x128x256xf32> to vector<128x256xf32>
    %dot_general3A_521 = arith.constant dense<0.000000e+00> : vector<512x256xf32>
    %dot_general3A_522 = tpu.matmul %convert_element_type3A_515, %get3A_520, %dot_general3A_521 {dimension_numbers = #tpu.dot_dimension_numbers<[1], [0], [0], [1], [0, 0, 1, 1], [], []>, transpose_lhs_hint = false} : vector<512x128xf32>, vector<128x256xf32>, vector<512x256xf32> -> vector<512x256xf32>
    %add3A_523 = arith.addf %add3A_504, %dot_general3A_522 : vector<512x256xf32>
    %get3A_524 = arith.constant 5 : index
    %get3A_525 = arith.constant 3 : index
    %get3A_526 = arith.constant 0 : index
    %get3A_527 = vector.load %arg2[%get3A_524, %get3A_525, %get3A_526] : memref<8x4x512xi32, #tpu.memory_space<vmem>>, vector<1x1x512xi32>
    %get3A_528 = vector.shape_cast %get3A_527 : vector<1x1x512xi32> to vector<512xi32>
    %broadcast_in_dim3A_529 = vector.shape_cast %get3A_528 : vector<512xi32> to vector<512x1xi32>
    %eq3A_530 = vector.broadcast %broadcast_in_dim3A_529 : vector<512x1xi32> to vector<512x128xi32>
    %eq3A_531 = vector.broadcast %iota3A : vector<1x128xi32> to vector<512x128xi32>
    %eq3A_532 = arith.cmpi eq, %eq3A_530, %eq3A_531 : vector<512x128xi32>
    %convert_element_type3A_533 = arith.extui %eq3A_532 : vector<512x128xi1> to vector<512x128xi32>
    %convert_element_type3A_534 = arith.sitofp %convert_element_type3A_533 : vector<512x128xi32> to vector<512x128xf32>
    %get3A_535 = arith.constant 3 : index
    %get3A_536 = arith.constant 0 : index
    %get3A_537 = arith.constant 0 : index
    %get3A_538 = vector.load %arg4[%get3A_535, %get3A_536, %get3A_537] : memref<4x128x256xf32, #tpu.memory_space<vmem>>, vector<1x128x256xf32>
    %get3A_539 = vector.shape_cast %get3A_538 : vector<1x128x256xf32> to vector<128x256xf32>
    %dot_general3A_540 = arith.constant dense<0.000000e+00> : vector<512x256xf32>
    %dot_general3A_541 = tpu.matmul %convert_element_type3A_534, %get3A_539, %dot_general3A_540 {dimension_numbers = #tpu.dot_dimension_numbers<[1], [0], [0], [1], [0, 0, 1, 1], [], []>, transpose_lhs_hint = false} : vector<512x128xf32>, vector<128x256xf32>, vector<512x256xf32> -> vector<512x256xf32>
    %add3A_542 = arith.addf %add3A_523, %dot_general3A_541 : vector<512x256xf32>
    %reshape3A_543 = vector.shape_cast %add3A_542 : vector<512x256xf32> to vector<1024x128xf32>
    %swap3A_544 = arith.constant 5 : index
    %swap3A_545 = arith.constant 0 : index
    %swap3A_546 = arith.constant 0 : index
    %swap3A_547 = vector.load %arg5[%swap3A_544, %swap3A_545, %swap3A_546] : memref<8x1024x128xf32, #tpu.memory_space<vmem>>, vector<1x1024x128xf32>
    %swap3A_548 = vector.shape_cast %swap3A_547 : vector<1x1024x128xf32> to vector<1024x128xf32>
    %swap3A_549 = vector.shape_cast %reshape3A_543 : vector<1024x128xf32> to vector<1x1024x128xf32>
    tpu.vector_store %arg5[%swap3A_544, %swap3A_545, %swap3A_546], %swap3A_549 {strides = array<i32>} : memref<8x1024x128xf32, #tpu.memory_space<vmem>>, vector<1x1024x128xf32>,
    %get3A_550 = arith.constant 6 : index
    %get3A_551 = arith.constant 0 : index
    %get3A_552 = arith.constant 0 : index
    %get3A_553 = vector.load %arg1[%get3A_550, %get3A_551, %get3A_552] : memref<8x512x128xf32, #tpu.memory_space<vmem>>, vector<1x512x128xf32>
    %get3A_554 = vector.shape_cast %get3A_553 : vector<1x512x128xf32> to vector<512x128xf32>
    %get3A_555 = arith.constant 0 : index
    %get3A_556 = arith.constant 0 : index
    %get3A_557 = vector.load %arg3[%get3A_555, %get3A_556] : memref<128x256xf32, #tpu.memory_space<vmem>>, vector<128x256xf32>
    %dot_general3A_558 = arith.constant dense<0.000000e+00> : vector<512x256xf32>
    %dot_general3A_559 = tpu.matmul %get3A_554, %get3A_557, %dot_general3A_558 {dimension_numbers = #tpu.dot_dimension_numbers<[1], [0], [0], [1], [0, 0, 1, 1], [], []>, transpose_lhs_hint = false} : vector<512x128xf32>, vector<128x256xf32>, vector<512x256xf32> -> vector<512x256xf32>
    %get3A_560 = arith.constant 6 : index
    %get3A_561 = arith.constant 0 : index
    %get3A_562 = arith.constant 0 : index
    %get3A_563 = vector.load %arg2[%get3A_560, %get3A_561, %get3A_562] : memref<8x4x512xi32, #tpu.memory_space<vmem>>, vector<1x1x512xi32>
    %get3A_564 = vector.shape_cast %get3A_563 : vector<1x1x512xi32> to vector<512xi32>
    %broadcast_in_dim3A_565 = vector.shape_cast %get3A_564 : vector<512xi32> to vector<512x1xi32>
    %eq3A_566 = vector.broadcast %broadcast_in_dim3A_565 : vector<512x1xi32> to vector<512x128xi32>
    %eq3A_567 = vector.broadcast %iota3A : vector<1x128xi32> to vector<512x128xi32>
    %eq3A_568 = arith.cmpi eq, %eq3A_566, %eq3A_567 : vector<512x128xi32>
    %convert_element_type3A_569 = arith.extui %eq3A_568 : vector<512x128xi1> to vector<512x128xi32>
    %convert_element_type3A_570 = arith.sitofp %convert_element_type3A_569 : vector<512x128xi32> to vector<512x128xf32>
    %get3A_571 = arith.constant 0 : index
    %get3A_572 = arith.constant 0 : index
    %get3A_573 = arith.constant 0 : index
    %get3A_574 = vector.load %arg4[%get3A_571, %get3A_572, %get3A_573] : memref<4x128x256xf32, #tpu.memory_space<vmem>>, vector<1x128x256xf32>
    %get3A_575 = vector.shape_cast %get3A_574 : vector<1x128x256xf32> to vector<128x256xf32>
    %dot_general3A_576 = arith.constant dense<0.000000e+00> : vector<512x256xf32>
    %dot_general3A_577 = tpu.matmul %convert_element_type3A_570, %get3A_575, %dot_general3A_576 {dimension_numbers = #tpu.dot_dimension_numbers<[1], [0], [0], [1], [0, 0, 1, 1], [], []>, transpose_lhs_hint = false} : vector<512x128xf32>, vector<128x256xf32>, vector<512x256xf32> -> vector<512x256xf32>
    %add3A_578 = arith.addf %dot_general3A_559, %dot_general3A_577 : vector<512x256xf32>
    %get3A_579 = arith.constant 6 : index
    %get3A_580 = arith.constant 1 : index
    %get3A_581 = arith.constant 0 : index
    %get3A_582 = vector.load %arg2[%get3A_579, %get3A_580, %get3A_581] : memref<8x4x512xi32, #tpu.memory_space<vmem>>, vector<1x1x512xi32>
    %get3A_583 = vector.shape_cast %get3A_582 : vector<1x1x512xi32> to vector<512xi32>
    %broadcast_in_dim3A_584 = vector.shape_cast %get3A_583 : vector<512xi32> to vector<512x1xi32>
    %eq3A_585 = vector.broadcast %broadcast_in_dim3A_584 : vector<512x1xi32> to vector<512x128xi32>
    %eq3A_586 = vector.broadcast %iota3A : vector<1x128xi32> to vector<512x128xi32>
    %eq3A_587 = arith.cmpi eq, %eq3A_585, %eq3A_586 : vector<512x128xi32>
    %convert_element_type3A_588 = arith.extui %eq3A_587 : vector<512x128xi1> to vector<512x128xi32>
    %convert_element_type3A_589 = arith.sitofp %convert_element_type3A_588 : vector<512x128xi32> to vector<512x128xf32>
    %get3A_590 = arith.constant 1 : index
    %get3A_591 = arith.constant 0 : index
    %get3A_592 = arith.constant 0 : index
    %get3A_593 = vector.load %arg4[%get3A_590, %get3A_591, %get3A_592] : memref<4x128x256xf32, #tpu.memory_space<vmem>>, vector<1x128x256xf32>
    %get3A_594 = vector.shape_cast %get3A_593 : vector<1x128x256xf32> to vector<128x256xf32>
    %dot_general3A_595 = arith.constant dense<0.000000e+00> : vector<512x256xf32>
    %dot_general3A_596 = tpu.matmul %convert_element_type3A_589, %get3A_594, %dot_general3A_595 {dimension_numbers = #tpu.dot_dimension_numbers<[1], [0], [0], [1], [0, 0, 1, 1], [], []>, transpose_lhs_hint = false} : vector<512x128xf32>, vector<128x256xf32>, vector<512x256xf32> -> vector<512x256xf32>
    %add3A_597 = arith.addf %add3A_578, %dot_general3A_596 : vector<512x256xf32>
    %get3A_598 = arith.constant 6 : index
    %get3A_599 = arith.constant 2 : index
    %get3A_600 = arith.constant 0 : index
    %get3A_601 = vector.load %arg2[%get3A_598, %get3A_599, %get3A_600] : memref<8x4x512xi32, #tpu.memory_space<vmem>>, vector<1x1x512xi32>
    %get3A_602 = vector.shape_cast %get3A_601 : vector<1x1x512xi32> to vector<512xi32>
    %broadcast_in_dim3A_603 = vector.shape_cast %get3A_602 : vector<512xi32> to vector<512x1xi32>
    %eq3A_604 = vector.broadcast %broadcast_in_dim3A_603 : vector<512x1xi32> to vector<512x128xi32>
    %eq3A_605 = vector.broadcast %iota3A : vector<1x128xi32> to vector<512x128xi32>
    %eq3A_606 = arith.cmpi eq, %eq3A_604, %eq3A_605 : vector<512x128xi32>
    %convert_element_type3A_607 = arith.extui %eq3A_606 : vector<512x128xi1> to vector<512x128xi32>
    %convert_element_type3A_608 = arith.sitofp %convert_element_type3A_607 : vector<512x128xi32> to vector<512x128xf32>
    %get3A_609 = arith.constant 2 : index
    %get3A_610 = arith.constant 0 : index
    %get3A_611 = arith.constant 0 : index
    %get3A_612 = vector.load %arg4[%get3A_609, %get3A_610, %get3A_611] : memref<4x128x256xf32, #tpu.memory_space<vmem>>, vector<1x128x256xf32>
    %get3A_613 = vector.shape_cast %get3A_612 : vector<1x128x256xf32> to vector<128x256xf32>
    %dot_general3A_614 = arith.constant dense<0.000000e+00> : vector<512x256xf32>
    %dot_general3A_615 = tpu.matmul %convert_element_type3A_608, %get3A_613, %dot_general3A_614 {dimension_numbers = #tpu.dot_dimension_numbers<[1], [0], [0], [1], [0, 0, 1, 1], [], []>, transpose_lhs_hint = false} : vector<512x128xf32>, vector<128x256xf32>, vector<512x256xf32> -> vector<512x256xf32>
    %add3A_616 = arith.addf %add3A_597, %dot_general3A_615 : vector<512x256xf32>
    %get3A_617 = arith.constant 6 : index
    %get3A_618 = arith.constant 3 : index
    %get3A_619 = arith.constant 0 : index
    %get3A_620 = vector.load %arg2[%get3A_617, %get3A_618, %get3A_619] : memref<8x4x512xi32, #tpu.memory_space<vmem>>, vector<1x1x512xi32>
    %get3A_621 = vector.shape_cast %get3A_620 : vector<1x1x512xi32> to vector<512xi32>
    %broadcast_in_dim3A_622 = vector.shape_cast %get3A_621 : vector<512xi32> to vector<512x1xi32>
    %eq3A_623 = vector.broadcast %broadcast_in_dim3A_622 : vector<512x1xi32> to vector<512x128xi32>
    %eq3A_624 = vector.broadcast %iota3A : vector<1x128xi32> to vector<512x128xi32>
    %eq3A_625 = arith.cmpi eq, %eq3A_623, %eq3A_624 : vector<512x128xi32>
    %convert_element_type3A_626 = arith.extui %eq3A_625 : vector<512x128xi1> to vector<512x128xi32>
    %convert_element_type3A_627 = arith.sitofp %convert_element_type3A_626 : vector<512x128xi32> to vector<512x128xf32>
    %get3A_628 = arith.constant 3 : index
    %get3A_629 = arith.constant 0 : index
    %get3A_630 = arith.constant 0 : index
    %get3A_631 = vector.load %arg4[%get3A_628, %get3A_629, %get3A_630] : memref<4x128x256xf32, #tpu.memory_space<vmem>>, vector<1x128x256xf32>
    %get3A_632 = vector.shape_cast %get3A_631 : vector<1x128x256xf32> to vector<128x256xf32>
    %dot_general3A_633 = arith.constant dense<0.000000e+00> : vector<512x256xf32>
    %dot_general3A_634 = tpu.matmul %convert_element_type3A_627, %get3A_632, %dot_general3A_633 {dimension_numbers = #tpu.dot_dimension_numbers<[1], [0], [0], [1], [0, 0, 1, 1], [], []>, transpose_lhs_hint = false} : vector<512x128xf32>, vector<128x256xf32>, vector<512x256xf32> -> vector<512x256xf32>
    %add3A_635 = arith.addf %add3A_616, %dot_general3A_634 : vector<512x256xf32>
    %reshape3A_636 = vector.shape_cast %add3A_635 : vector<512x256xf32> to vector<1024x128xf32>
    %swap3A_637 = arith.constant 6 : index
    %swap3A_638 = arith.constant 0 : index
    %swap3A_639 = arith.constant 0 : index
    %swap3A_640 = vector.load %arg5[%swap3A_637, %swap3A_638, %swap3A_639] : memref<8x1024x128xf32, #tpu.memory_space<vmem>>, vector<1x1024x128xf32>
    %swap3A_641 = vector.shape_cast %swap3A_640 : vector<1x1024x128xf32> to vector<1024x128xf32>
    %swap3A_642 = vector.shape_cast %reshape3A_636 : vector<1024x128xf32> to vector<1x1024x128xf32>
    tpu.vector_store %arg5[%swap3A_637, %swap3A_638, %swap3A_639], %swap3A_642 {strides = array<i32>} : memref<8x1024x128xf32, #tpu.memory_space<vmem>>, vector<1x1024x128xf32>,
    %get3A_643 = arith.constant 7 : index
    %get3A_644 = arith.constant 0 : index
    %get3A_645 = arith.constant 0 : index
    %get3A_646 = vector.load %arg1[%get3A_643, %get3A_644, %get3A_645] : memref<8x512x128xf32, #tpu.memory_space<vmem>>, vector<1x512x128xf32>
    %get3A_647 = vector.shape_cast %get3A_646 : vector<1x512x128xf32> to vector<512x128xf32>
    %get3A_648 = arith.constant 0 : index
    %get3A_649 = arith.constant 0 : index
    %get3A_650 = vector.load %arg3[%get3A_648, %get3A_649] : memref<128x256xf32, #tpu.memory_space<vmem>>, vector<128x256xf32>
    %dot_general3A_651 = arith.constant dense<0.000000e+00> : vector<512x256xf32>
    %dot_general3A_652 = tpu.matmul %get3A_647, %get3A_650, %dot_general3A_651 {dimension_numbers = #tpu.dot_dimension_numbers<[1], [0], [0], [1], [0, 0, 1, 1], [], []>, transpose_lhs_hint = false} : vector<512x128xf32>, vector<128x256xf32>, vector<512x256xf32> -> vector<512x256xf32>
    %get3A_653 = arith.constant 7 : index
    %get3A_654 = arith.constant 0 : index
    %get3A_655 = arith.constant 0 : index
    %get3A_656 = vector.load %arg2[%get3A_653, %get3A_654, %get3A_655] : memref<8x4x512xi32, #tpu.memory_space<vmem>>, vector<1x1x512xi32>
    %get3A_657 = vector.shape_cast %get3A_656 : vector<1x1x512xi32> to vector<512xi32>
    %broadcast_in_dim3A_658 = vector.shape_cast %get3A_657 : vector<512xi32> to vector<512x1xi32>
    %eq3A_659 = vector.broadcast %broadcast_in_dim3A_658 : vector<512x1xi32> to vector<512x128xi32>
    %eq3A_660 = vector.broadcast %iota3A : vector<1x128xi32> to vector<512x128xi32>
    %eq3A_661 = arith.cmpi eq, %eq3A_659, %eq3A_660 : vector<512x128xi32>
    %convert_element_type3A_662 = arith.extui %eq3A_661 : vector<512x128xi1> to vector<512x128xi32>
    %convert_element_type3A_663 = arith.sitofp %convert_element_type3A_662 : vector<512x128xi32> to vector<512x128xf32>
    %get3A_664 = arith.constant 0 : index
    %get3A_665 = arith.constant 0 : index
    %get3A_666 = arith.constant 0 : index
    %get3A_667 = vector.load %arg4[%get3A_664, %get3A_665, %get3A_666] : memref<4x128x256xf32, #tpu.memory_space<vmem>>, vector<1x128x256xf32>
    %get3A_668 = vector.shape_cast %get3A_667 : vector<1x128x256xf32> to vector<128x256xf32>
    %dot_general3A_669 = arith.constant dense<0.000000e+00> : vector<512x256xf32>
    %dot_general3A_670 = tpu.matmul %convert_element_type3A_663, %get3A_668, %dot_general3A_669 {dimension_numbers = #tpu.dot_dimension_numbers<[1], [0], [0], [1], [0, 0, 1, 1], [], []>, transpose_lhs_hint = false} : vector<512x128xf32>, vector<128x256xf32>, vector<512x256xf32> -> vector<512x256xf32>
    %add3A_671 = arith.addf %dot_general3A_652, %dot_general3A_670 : vector<512x256xf32>
    %get3A_672 = arith.constant 7 : index
    %get3A_673 = arith.constant 1 : index
    %get3A_674 = arith.constant 0 : index
    %get3A_675 = vector.load %arg2[%get3A_672, %get3A_673, %get3A_674] : memref<8x4x512xi32, #tpu.memory_space<vmem>>, vector<1x1x512xi32>
    %get3A_676 = vector.shape_cast %get3A_675 : vector<1x1x512xi32> to vector<512xi32>
    %broadcast_in_dim3A_677 = vector.shape_cast %get3A_676 : vector<512xi32> to vector<512x1xi32>
    %eq3A_678 = vector.broadcast %broadcast_in_dim3A_677 : vector<512x1xi32> to vector<512x128xi32>
    %eq3A_679 = vector.broadcast %iota3A : vector<1x128xi32> to vector<512x128xi32>
    %eq3A_680 = arith.cmpi eq, %eq3A_678, %eq3A_679 : vector<512x128xi32>
    %convert_element_type3A_681 = arith.extui %eq3A_680 : vector<512x128xi1> to vector<512x128xi32>
    %convert_element_type3A_682 = arith.sitofp %convert_element_type3A_681 : vector<512x128xi32> to vector<512x128xf32>
    %get3A_683 = arith.constant 1 : index
    %get3A_684 = arith.constant 0 : index
    %get3A_685 = arith.constant 0 : index
    %get3A_686 = vector.load %arg4[%get3A_683, %get3A_684, %get3A_685] : memref<4x128x256xf32, #tpu.memory_space<vmem>>, vector<1x128x256xf32>
    %get3A_687 = vector.shape_cast %get3A_686 : vector<1x128x256xf32> to vector<128x256xf32>
    %dot_general3A_688 = arith.constant dense<0.000000e+00> : vector<512x256xf32>
    %dot_general3A_689 = tpu.matmul %convert_element_type3A_682, %get3A_687, %dot_general3A_688 {dimension_numbers = #tpu.dot_dimension_numbers<[1], [0], [0], [1], [0, 0, 1, 1], [], []>, transpose_lhs_hint = false} : vector<512x128xf32>, vector<128x256xf32>, vector<512x256xf32> -> vector<512x256xf32>
    %add3A_690 = arith.addf %add3A_671, %dot_general3A_689 : vector<512x256xf32>
    %get3A_691 = arith.constant 7 : index
    %get3A_692 = arith.constant 2 : index
    %get3A_693 = arith.constant 0 : index
    %get3A_694 = vector.load %arg2[%get3A_691, %get3A_692, %get3A_693] : memref<8x4x512xi32, #tpu.memory_space<vmem>>, vector<1x1x512xi32>
    %get3A_695 = vector.shape_cast %get3A_694 : vector<1x1x512xi32> to vector<512xi32>
    %broadcast_in_dim3A_696 = vector.shape_cast %get3A_695 : vector<512xi32> to vector<512x1xi32>
    %eq3A_697 = vector.broadcast %broadcast_in_dim3A_696 : vector<512x1xi32> to vector<512x128xi32>
    %eq3A_698 = vector.broadcast %iota3A : vector<1x128xi32> to vector<512x128xi32>
    %eq3A_699 = arith.cmpi eq, %eq3A_697, %eq3A_698 : vector<512x128xi32>
    %convert_element_type3A_700 = arith.extui %eq3A_699 : vector<512x128xi1> to vector<512x128xi32>
    %convert_element_type3A_701 = arith.sitofp %convert_element_type3A_700 : vector<512x128xi32> to vector<512x128xf32>
    %get3A_702 = arith.constant 2 : index
    %get3A_703 = arith.constant 0 : index
    %get3A_704 = arith.constant 0 : index
    %get3A_705 = vector.load %arg4[%get3A_702, %get3A_703, %get3A_704] : memref<4x128x256xf32, #tpu.memory_space<vmem>>, vector<1x128x256xf32>
    %get3A_706 = vector.shape_cast %get3A_705 : vector<1x128x256xf32> to vector<128x256xf32>
    %dot_general3A_707 = arith.constant dense<0.000000e+00> : vector<512x256xf32>
    %dot_general3A_708 = tpu.matmul %convert_element_type3A_701, %get3A_706, %dot_general3A_707 {dimension_numbers = #tpu.dot_dimension_numbers<[1], [0], [0], [1], [0, 0, 1, 1], [], []>, transpose_lhs_hint = false} : vector<512x128xf32>, vector<128x256xf32>, vector<512x256xf32> -> vector<512x256xf32>
    %add3A_709 = arith.addf %add3A_690, %dot_general3A_708 : vector<512x256xf32>
    %get3A_710 = arith.constant 7 : index
    %get3A_711 = arith.constant 3 : index
    %get3A_712 = arith.constant 0 : index
    %get3A_713 = vector.load %arg2[%get3A_710, %get3A_711, %get3A_712] : memref<8x4x512xi32, #tpu.memory_space<vmem>>, vector<1x1x512xi32>
    %get3A_714 = vector.shape_cast %get3A_713 : vector<1x1x512xi32> to vector<512xi32>
    %broadcast_in_dim3A_715 = vector.shape_cast %get3A_714 : vector<512xi32> to vector<512x1xi32>
    %eq3A_716 = vector.broadcast %broadcast_in_dim3A_715 : vector<512x1xi32> to vector<512x128xi32>
    %eq3A_717 = vector.broadcast %iota3A : vector<1x128xi32> to vector<512x128xi32>
    %eq3A_718 = arith.cmpi eq, %eq3A_716, %eq3A_717 : vector<512x128xi32>
    %convert_element_type3A_719 = arith.extui %eq3A_718 : vector<512x128xi1> to vector<512x128xi32>
    %convert_element_type3A_720 = arith.sitofp %convert_element_type3A_719 : vector<512x128xi32> to vector<512x128xf32>
    %get3A_721 = arith.constant 3 : index
    %get3A_722 = arith.constant 0 : index
    %get3A_723 = arith.constant 0 : index
    %get3A_724 = vector.load %arg4[%get3A_721, %get3A_722, %get3A_723] : memref<4x128x256xf32, #tpu.memory_space<vmem>>, vector<1x128x256xf32>
    %get3A_725 = vector.shape_cast %get3A_724 : vector<1x128x256xf32> to vector<128x256xf32>
    %dot_general3A_726 = arith.constant dense<0.000000e+00> : vector<512x256xf32>
    %dot_general3A_727 = tpu.matmul %convert_element_type3A_720, %get3A_725, %dot_general3A_726 {dimension_numbers = #tpu.dot_dimension_numbers<[1], [0], [0], [1], [0, 0, 1, 1], [], []>, transpose_lhs_hint = false} : vector<512x128xf32>, vector<128x256xf32>, vector<512x256xf32> -> vector<512x256xf32>
    %add3A_728 = arith.addf %add3A_709, %dot_general3A_727 : vector<512x256xf32>
    %reshape3A_729 = vector.shape_cast %add3A_728 : vector<512x256xf32> to vector<1024x128xf32>
    %swap3A_730 = arith.constant 7 : index
    %swap3A_731 = arith.constant 0 : index
    %swap3A_732 = arith.constant 0 : index
    %swap3A_733 = vector.load %arg5[%swap3A_730, %swap3A_731, %swap3A_732] : memref<8x1024x128xf32, #tpu.memory_space<vmem>>, vector<1x1024x128xf32>
    %swap3A_734 = vector.shape_cast %swap3A_733 : vector<1x1024x128xf32> to vector<1024x128xf32>
    %swap3A_735 = vector.shape_cast %reshape3A_729 : vector<1024x128xf32> to vector<1x1024x128xf32>
    tpu.vector_store %arg5[%swap3A_730, %swap3A_731, %swap3A_732], %swap3A_735 {strides = array<i32>} : memref<8x1024x128xf32, #tpu.memory_space<vmem>>, vector<1x1024x128xf32>,
    return
  }
  func.func @transform_0(%arg0: i32) -> (i32, i32, i32) {
    %c0_i32 = arith.constant 0 : i32
    %c0_i32_0 = arith.constant 0 : i32
    %c0_i32_1 = arith.constant 0 : i32
    return %arg0, %c0_i32, %c0_i32_0 : i32, i32, i32
  }
  func.func @transform_1(%arg0: i32) -> (i32, i32, i32) {
    %c0_i32 = arith.constant 0 : i32
    %c0_i32_0 = arith.constant 0 : i32
    %c0_i32_1 = arith.constant 0 : i32
    return %arg0, %c0_i32, %c0_i32_0 : i32, i32, i32
  }
  func.func @transform_2(%arg0: i32) -> (i32, i32) {
    %c0_i32 = arith.constant 0 : i32
    %c0_i32_0 = arith.constant 0 : i32
    %c0_i32_1 = arith.constant 0 : i32
    return %c0_i32, %c0_i32_0 : i32, i32
  }
  func.func @transform_3(%arg0: i32) -> (i32, i32, i32) {
    %c0_i32 = arith.constant 0 : i32
    %c0_i32_0 = arith.constant 0 : i32
    %c0_i32_1 = arith.constant 0 : i32
    %c0_i32_2 = arith.constant 0 : i32
    return %c0_i32, %c0_i32_0, %c0_i32_1 : i32, i32, i32
  }
  func.func @transform_4(%arg0: i32) -> (i32, i32, i32) {
    %c0_i32 = arith.constant 0 : i32
    %c0_i32_0 = arith.constant 0 : i32
    %c0_i32_1 = arith.constant 0 : i32
    return %arg0, %c0_i32, %c0_i32_0 : i32, i32, i32
  }
}

</mosaic_0001>

<sc_bundles>
// kernel: sparse-core-data-format-call.cloned.1.call-start
scs
called_computation_lowered:
.L_overlay_start_0:
0x0: {  	s2 =	sld [smem:$0x3FD9]  }
0x1: {  	s3 =	sld [smem:$0x3FFE];
	_ =	sdelay $0x1  }
0x2: {  	s1 =	srdreg.scid  }
0x3: {  	s0 =	sand.u32 $0x1, s1  }
0x4: {  	s18 =	sshll.u32 s0, $0xA;
	s2 =	sadd.s32 s3, s2  }
0x5: {  	s2 =	sadd.s32 s2, s18  }
0x6: {  	[smem:$0x3FC3] =	sst s2  }
0x7: {  	_ = 	snop  }
0x8: {  	s2 =	sld [smem:$0x3FD0];
	(tm) =	ssettm $0x1  }
0x9: {  	s19 =	sld [smem:$0x3FFB];
	_ =	sdelay $0x3  }
0xa: {  	_ =	strace s19  }
0xb: {  	s3 =	sld [smem:$0x3FFC];
	_ =	sdelay $0x3  }
0xc: {  	_ =	strace s3  }
0xd: {  	s3 =	sld [smem:$0x3FFD];
	_ =	sdelay $0x3  }
0xe: {  	_ =	strace s3  }
0xf: {  	_ =	strace $0x8FFFFFFF  }
0x10: {  	s20 =	sld [smem:$0x3FDB];
	_ =	sdelay $0x1  }
0x11: {  	s4 =	simm.s32 $_scs_section_size  }
0x12: {  	s5 =	simm.s32 $_size__tile_overlayer_lowered;
	s6 =	simm.s32 $_tile_overlayer_lowered  }
0x13: {  	s23 =	simm.s32 $0x1BFF;
	s22 =	sshll.u32 s6, $0x1;
	s3 =	sadd.s32 s4, s20  }
0x14: {  	s7 =	simm.s32 $0x0;
	s21 =	sshll.u32 s5, $0x1;
	s5 =	sadd.s32 s22, s3  }
0x15: {  	[timem:s7], [sflag:s23] =	dma.local [hbm:s5], s21  }
0x16: {  	_ =	swait.ge [sflag:s23], s21  }
0x17: {  	s4 =	ssub.s32 $0x0, s21;
	[sflag:s23] =	ssyncset.done $0x0  }
0x18: {  	[sflag:s23] =	ssyncadd.s32 s4;
	_ =	sdelay $0x1  }
0x19: {  	s24 =	simm.s32 $0x1B8B  }
0x1a: {  	_ =	swait.ge [sflag:s24], $0x1  }
0x1b: {  	[sflag:s24] =	ssyncset.done $0x0  }
0x1c: {  	s26 =	simm.s32 $0x1B8E;
	s25 =	sld [smem:$0x3FFE];
	[sflag:s24] =	ssyncadd.s32 $0xFFFFFFFF  }
0x1d: {  	s27 =	simm.s32 $execute0_lowered;
	[smem:$0x3FD2] =	sst s26  }
0x1e: {  	s5 =	sshll.u32 s27, $0x1;
	_ =	strace $0x80000046;
	[dreg:$0x1] =	wrdreg $0xFFFFFFFF  }
0x1f: {  	s28 =	simm.s32 $_size_execute0_lowered;
	s3 =	sadd.s32 s3, s5;
	[dreg:$0x0] =	wrdreg $0x0  }
0x20: {  	s5 =	sshll.u32 s28, $0x1;
	[dreg:$0x2] =	wrdreg s3  }
0x21: {  	[dreg:$0x3] =	wrdreg s5  }
0x22: {  	[dreg:$0x4] =	wrdreg $0xC0  }
0x23: {  	_ =	task [dreg:s7], $0x5FFFF  }
0x24: {  	[dreg:$0x1] =	wrdreg $0xFFFFFFFF  }
0x25: {  	[dreg:$0x0] =	wrdreg $0x60  }
0x26: {  	[dreg:$0x2] =	wrdreg s25  }
0x27: {  	[dreg:$0x3] =	wrdreg s2  }
0x28: {  	[dreg:$0x4] =	wrdreg $0x9  }
0x29: {  	_ =	task.clear_ibuf [dreg:s7], $0x5FFFF;
	_ =	strace $0x90000046  }
0x2a: {  	s29 =	simm.s32 $0x9;
	_ =	strace $0x80000048  }
0x2b: {  	_ =	swait.ge [sflag:s29], $0x1  }
0x2c: {  	[sflag:s29] =	ssyncadd.s32 $0xFFFFFFFF  }
0x2d: {  	_ =	strace $0x90000048  }
0x2e: {  	_ =	sfence  }
0x2f: {  	s30 =	sld [smem:$0x0];
	_ =	sdelay $0x2  }
0x30: {  	s31 =	sshll.u32 s1, $0xD;
	s1 =	sshrl.u32 s1, $0x2  }
0x31: {  	s3 =	sand.u32 $0x4000, s31;
	s1 =	sadd.s32 s1, s30  }
0x32: {  	s0 =	sor.u32 s3, s0;
	s1 =	sshll.u32 s1, $0x11  }
0x33: {  	s0 =	sor.u32 s1, s0  }
0x34: {  	s0 =	sadd.s32 $0x8F2B, s0  }
0x35: {  	[sflag:s0] =	ssyncadd.remote.s32 $0x1  }
0x36: {  	_ =	sfence.sel $0xFFFF  }
0x37: {  	[dreg:$0x0] =	wrdreg $0xFFFFFFFF;
	(pc) =	sbr.abs _section_cstart, $3  }
0x38: {  	[dreg:$0x1] =	wrdreg $0xFFFFFFFF  }
0x39: {  	_ =	task.clear_ibuf [dreg:s7], $0x2FFFF;
	_ =	strace $0x9FFFFFFF  }
0x3a: {  	(tm) =	ssettm $0x7FFFFFFF  }
0x3b: {  	_ =	shalt  }
tec
execute0_lowered:
.L_overlay_start_1:
0x0: {  	(tag) =	ssettag $0x1  }
0x1: {  	s6 =	rddreg [dreg:$0x0]  }
0x2: {  	s0 =	stileid.u32;
	s2 =	rddreg [dreg:$0x1]  }
0x3: {  	s1 =	rddreg [dreg:$0x2];
	s4 =	srdreg.scid;
	_ =	strace $0x80000047  }
0x4: {  	s31 =	simm.s32 $0x2;
	s14 =	simm.s32 $0x0;
	s16 =	simm.s32 $0x0  }
0x5: {  	s15 =	simm.s32 $0x0;
	s13 =	simm.s32 $0x0;
	s3 =	sshll.u32 s0, $0x7  }
0x6: {  	s4 =	sand.u32 $0x1, s4;
	s6 =	sadd.s32 $0x600, s6;
	s5 =	ssub.s32 $0x800, s3  }
0x7: {  	s8 =	ssub.s32 $0x40, s4;
	s11 =	smov.u32 s4;
	s7 =	sand.u32 $0x780, s5  }
0x8: {  	s9 =	sshrl.u32 s5, $0xB;
	p0 =	sne.s32 s7, $0x0;
	s7 =	simm.s32 $0x1  }
.Ltmp0:
0x9: {  	s10 =	sshrl.u32 s8, $0x1;
	s7 =	simm.s32 @!p0 $0x0;
	(pc) =	sbr.rel .LBB1_1-.Ltmp0, $4  }
0xa: {  	s5 =	simm.s32 $0x1;
	s8 =	ssub.s32 s8, s10;
	s7 =	sadd.s32 s7, s9  }
0xb: {  	s12 =	smov.u32 s3;
	[sflag:s5] =	ssyncpa.u1 $0x0;
	s8 =	smul.u32 s7, s8  }
0xc: {  	s10 =	simm.s32 $0x0;
	[sflag:s31] =	ssyncpa.u1 $0x0;
	p0 =	por $0x0, $0x0  }
0xd: {  	s9 =	simm.s32 $0x20000;
	s7 =	sshll.u32 s8, $0x1;
	s8 =	sshllo.u32 s8, $0x1  }
.LBB1_4:
0xe: {  	v5 =	vld [tilespmem:s19+$0xFFFFFFD0];
	[tilespmem:s20+$0x2040 ss:$0x81] =	vst.msk $0xffff, v1  }
0xf: {  	v58 =	vld [tilespmem:s19+$0xFFFFFFE0];
	[tilespmem:s20+$0x2850 ss:$0x81] =	vst.msk $0xffff, v2  }
0x10: {  	s21 =	sshra.s32 s21, $0x2;
	v59 =	vld [tilespmem:s19+$0xFFFFFFF0];
	[tilespmem:s20+$0x3060 ss:$0x81] =	vst.msk $0xffff, v3  }
0x11: {  	v60 =	vld [tilespmem:s19+$0x0];
	[tilespmem:s20+$0x0 ss:$0x81] =	vst.msk $0xffff, v0;
	s18 =	sadd.s32 s21, s18  }
0x12: {  	v61 =	vld [tilespmem:s19+$0x10];
	s26 =	sshll.u32 s16, $0xB;
	[tilespmem:s18+$0x3870 ss:$0x81] =	vst.msk $0xffff, v4  }
0x13: {  	v62 =	vld [tilespmem:s19+$0x20];
	s27 =	sand.u32 $0x78, s15;
	s22 =	sshll.u32 s15, $0x3;
	s29 =	sshll.u32 s16, $0x7;
	[tilespmem:s18+$0x810 ss:$0x81] =	vst.msk $0xffff, v5  }
0x14: {  	v63 =	vld [tilespmem:s19+$0xFFFFFFC0];
	s14 =	sshll.u32 s14, $0xE;
	s20 =	sand.u32 $0x1C000, s26;
	s28 =	sand.u32 $0x1FC00, s22;
	[tilespmem:s18+$0x1020 ss:$0x81] =	vst.msk $0xffff, v58  }
0x15: {  	s31 =	sand.u32 $0x7, s15;
	s22 =	sand.u32 $0x400, s22;
	s19 =	sadd.s32 s28, s20;
	[tilespmem:s18+$0x1830 ss:$0x81] =	vst.msk $0xffff, v59  }
0x16: {  	s16 =	sand.u32 $0x380, s29;
	s30 =	sor.u32 s27, s22;
	s19 =	sshrl.u32 s19, $0x3;
	[tilespmem:s18+$0x2040 ss:$0x81] =	vst.msk $0xffff, v60  }
0x17: {  	s14 =	sadd.s32 s2, s14;
	s16 =	sor.u32 s16, s30;
	s19 =	sand.u32 $0x3F00, s19;
	[tilespmem:s18+$0x2850 ss:$0x81] =	vst.msk $0xffff, v61  }
0x18: {  	s15 =	sshll.u32 s31, $0x12;
	s16 =	sshrl.u32 s16, $0x3;
	[tilespmem:s18+$0x3060 ss:$0x81] =	vst.msk $0xffff, v62;
	s14 =	sadd.s32 s19, s14  }
0x19: {  	s15 =	sor.u32 $0x80, s15;
	[tilespmem:s18+$0x0 ss:$0x81] =	vst.msk $0xffff, v63;
	s14 =	sadd.s32 s16, s14  }
0x1a: {  	[hbm4b:s14+s15] =	stream.strided.scatter [tilespmem:s17], [sflag:$0x2], $0x4000, s9, s15, $0x20;
	[tilespmem:$0x10100] =	vst v63  }
.LBB1_5:
0x1b: {  	s17 =	sadd.s32 $0x80, s10  }
0x1c: {  	s14 =	sadd.s32 $0x2, s11;
	s18 =	smov.u32 s11;
	p2 =	sgt.s32 s17, $0xFF  }
0x1d: {  	s18 =	smov.u32 @p2 s14  }
0x1e: {  	s20 =	smov.u32 s12;
	s14 =	sadd.s32 $0x800, s12;
	p3 =	sgt.s32 s18, $0x3F  }
0x1f: {  	s20 =	smov.u32 @p3 s14  }
0x20: {  	s17 =	simm.s32 @p2 $0x0;
	p2 =	sgt.s32 s20, $0x7FF  }
0x21: {  	p1 =	slt.u32 s13, $0x2;
	s20 =	smov.u32 @p2 s3;
	p2 =	sne.s32 s13, s8  }
.Ltmp1:
0x22: {  	s19 =	simm.s32 @!p1 $0x2;
	(pc) =	sbr.rel @!p2 .LBB1_6-.Ltmp1, $4  }
0x23: {  	s16 =	smov.u32 s11;
	s15 =	smov.u32 s12;
	_ =	swait.ge @!p1 [sflag:s19], $0x4000  }
0x24: {  	p0 =	por !p0, !p0;
	[sflag:s19] =	ssyncset.done @!p1 $0x0;
	s18 =	smov.u32 @p3 s4  }
0x25: {  	s14 =	smov.u32 s10;
	[sflag:s19] =	ssyncadd.s32 @!p1 $0xFFFFC000;
	s10 =	smov.u32 s17  }
0x26: {  	s11 =	smov.u32 s18;
	s13 =	sadd.s32 $0x1, s13;
	s12 =	smov.u32 s20  }
.LBB1_1:
0x27: {  	p1 =	sge.u32 s13, s7  }
0x28: {  	s31 =	sadd.s32 $0xFFFFFFFF, s13;
	s17 =	sxor.u32 @!p1 $0xFFFFFFFF, s13  }
0x29: {  	s18 =	sshll.u32 @!p1 s11, $0x8;
	s19 =	sshll.u32 @!p1 s10, $0x3;
	s20 =	sshll.u32 @!p1 s11, $0x7  }
0x2a: {  	s21 =	sand.u32 @!p1 $0x78, s10;
	s18 =	sand.u32 @!p1 $0x3800, s18;
	s19 =	sand.u32 @!p1 $0x3C00, s19  }
0x2b: {  	s17 =	sshll.u32 @!p1 s17, $0xE;
	s18 =	sadd.s32 @!p1 s18, s19;
	s19 =	sand.u32 @!p1 $0x300, s20  }
0x2c: {  	s17 =	sand.u32 @!p1 $0x4000, s17;
	s18 =	sor.u32 @!p1 s19, s18;
	s19 =	sand.u32 @!p1 $0x80, s20  }
0x2d: {  	s20 =	sshll.u32 @!p1 s12, $0xB;
	s19 =	sor.u32 @!p1 s21, s19;
	s18 =	sshrl.u32 @!p1 s18, $0x3  }
0x2e: {  	s20 =	sadd.s32 @!p1 s6, s20;
	s21 =	sand.u32 @!p1 $0x7, s10;
	s19 =	sshrl.u32 @!p1 s19, $0x3  }
0x2f: {  	s18 =	sand.u32 @!p1 $0x7E0, s18;
	s19 =	sadd.s32 @!p1 s19, s20;
	s20 =	sshll.u32 @!p1 s21, $0x12  }
0x30: {  	s18 =	sadd.s32 @!p1 s18, s19;
	s19 =	sor.u32 @!p1 $0x80, s20;
	s20 =	simm.s32 @!p1 $0x4000  }
0x31: {  	[tilespmem:s17], [sflag:$0x1] =	stream.strided.gather @!p1 [hbm4b:s18+s19], $0x4000, s20, s19, $0x38;
	[tilespmem:$0x10100] =	vst v63  }
0x32: {  	p1 =	sge.u32 s31, s7  }
.Ltmp2:
0x33: {  	_ = 	snop;
	(pc) =	sbr.rel @p1 .LBB1_5-.Ltmp2, $1  }
0x34: {  	_ =	sdelay $0x3  }
0x35: {  	s17 =	simm.s32 $0x1  }
0x36: {  	_ =	swait.ge [sflag:s5], $0x4000;
	s17 =	simm.s32 @!p0 $0x0  }
0x37: {  	[sflag:s5] =	ssyncset.done $0x0;
	s18 =	sshll.u32 s17, $0xE  }
0x38: {  	[sflag:s5] =	ssyncadd.s32 $0xFFFFC000;
	s19 =	sor.u32 $0x40, s18  }
0x39: {  	s17 =	smul.u32 $0x10200, s17;
	v0 =	vld [tilespmem:s19+$0x30]  }
0x3a: {  	v3 =	vld [tilespmem:s19+$0xFFFFFFD0]  }
0x3b: {  	s17 =	sshrl.u32 s17, $0x2;
	v4 =	vld [tilespmem:s19+$0xFFFFFFE0]  }
0x3c: {  	v5 =	vld [tilespmem:s19+$0xFFFFFFF0];
	s18 =	sor.u32 $0x8000, s17  }
0x3d: {  	s31 =	sand.u32 $0x1, s13;
	v1 =	vld [tilespmem:s19+$0x0];
	s20 =	sadd.s32 $0x0, s18  }
0x3e: {  	v2 =	vld [tilespmem:s19+$0x10];
	s17 =	smul.u32 $0x10200, s31;
	[tilespmem:s20+$0x3870 ss:$0x81] =	vst.msk $0xffff, v0  }
0x3f: {  	[tilespmem:s20+$0x810 ss:$0x81] =	vst.msk $0xffff, v3;
	v3 =	vld [tilespmem:s19+$0x20]  }
0x40: {  	s17 =	sshrl.u32 s17, $0x2;
	v0 =	vld [tilespmem:s19+$0xFFFFFFC0];
	[tilespmem:s20+$0x1020 ss:$0x81] =	vst.msk $0xffff, v4;
	s19 =	sadd.s32 $0x80, s19  }
0x41: {  	s21 =	simm.s32 $0x4;
	s22 =	simm.s32 $0x8;
	s17 =	sor.u32 $0x8000, s17;
	[tilespmem:s20+$0x1830 ss:$0x81] =	vst.msk $0xffff, v5;
	v4 =	vld [tilespmem:s19+$0x30]  }
.LBB1_3:
0x42: {  	p1 =	sne.s32 s22, $0x1FC;
	v5 =	vld [tilespmem:s19+$0xFFFFFFD0];
	[tilespmem:s20+$0x2040 ss:$0x81] =	vst.msk $0xffff, v1  }
0x43: {  	v6 =	vld [tilespmem:s19+$0xFFFFFFE0];
	[tilespmem:s20+$0x2850 ss:$0x81] =	vst.msk $0xffff, v2  }
0x44: {  	s23 =	sshra.s32 s21, $0x2;
	s21 =	smov.u32 s22;
	v7 =	vld [tilespmem:s19+$0xFFFFFFF0];
	[tilespmem:s20+$0x3060 ss:$0x81] =	vst.msk $0xffff, v3  }
.Ltmp3:
0x45: {  	v1 =	vld [tilespmem:s19+$0x0];
	[tilespmem:s20+$0x0 ss:$0x81] =	vst.msk $0xffff, v0;
	s20 =	sadd.s32 s23, s18;
	(pc) =	sbr.rel @p1 .LBB1_3-.Ltmp3, $4  }
0x46: {  	v2 =	vld [tilespmem:s19+$0x10];
	[tilespmem:s20+$0x3870 ss:$0x81] =	vst.msk $0xffff, v4  }
0x47: {  	[tilespmem:s20+$0x810 ss:$0x81] =	vst.msk $0xffff, v5;
	v3 =	vld [tilespmem:s19+$0x20]  }
0x48: {  	v0 =	vld [tilespmem:s19+$0xFFFFFFC0];
	[tilespmem:s20+$0x1020 ss:$0x81] =	vst.msk $0xffff, v6;
	s19 =	sadd.s32 $0x80, s19  }
0x49: {  	s22 =	sadd.s32 $0x4, s22;
	v4 =	vld [tilespmem:s19+$0x30];
	[tilespmem:s20+$0x1830 ss:$0x81] =	vst.msk $0xffff, v7  }
.Ltmp4:
0x4a: {  	_ = 	snop;
	(pc) =	sbr.rel .LBB1_4-.Ltmp4, $1  }
0x4b: {  	_ =	sdelay $0x3  }
.LBB1_6:
0x4c: {  	_ =	sfence.sel $0x180000  }
0x4d: {  	s2 =	simm.s32 $0x1;
	[bflag:$0x0] =	sbarrier.arrive $0xFFFF  }
0x4e: {  	s31 =	simm.s32 $0x2;
	[sflag:s2] =	ssyncpa.u1 $0x1  }
0x4f: {  	[sflag:s31] =	ssyncpa.u1 $0x1  }
0x50: {  	p0 =	sne.s32 s0, $0x0;
	_ =	strace $0x90000047  }
0x51: {  	s0 =	sadd.s32 @!p0 $0x100000, s1;
	[bflag:$0x2] =	sbarrier.arrive $0xFFFF  }
0x52: {  	[sflag:s0] =	ssyncadd.tile.s32 @!p0 $0x1;
	_ =	shalt  }
.Lfunc_end1:
_tile_overlayer_lowered:
.L_overlay_start_2:
0x53: {  	(tag) =	ssettag $0x2  }
0x54: {  	s0 =	rddreg [dreg:$0x0];
	s2 =	stileid.u32  }
0x55: {  	s1 =	rddreg [dreg:$0x1];
	p0 =	sne.s32 s2, $0x0  }
0x56: {  	s3 =	rddreg [dreg:$0x2];
	[bflag:$0x3] =	sbarrier.arrive $0xFFFF;
	s2 =	simm.s32 @!p0 $0x1C01  }
0x57: {  	[timem:s3], [sflag:s2] =	dma.local @!p0 [hbm:s0], s1  }
0x58: {  	s0 =	simm.s32 @!p0 $0x1  }
0x59: {  	_ =	swait.ge @!p0 [sflag:s0], s1  }
0x5a: {  	s1 =	ssub.s32 @!p0 $0x0, s1;
	[sflag:s0] =	ssyncset.done @!p0 $0x0  }
0x5b: {  	[sflag:s0] =	ssyncadd.s32 @!p0 s1  }
0x5c: {  	[bflag:$0x3] =	sbarrier.arrive $0xFFFF  }
0x5d: {  	_ =	shalt  }

</sc_bundles>
